<compile_context>
chip_gen: v7x
topology: tpu7x:2x2x1
jax: 0.10.2.dev20260603
libtpu: 0.0.44.dev20260713+nightly
codegen_flags: <defaults>
</compile_context>

<pallas_src>
import functools

import jax
import jax.numpy as jnp
from jax import lax
from jax.experimental import pallas as pl
from jax.experimental.pallas import tpu as pltpu
from jax.experimental.pallas import tpu_sc as plsc


def _make_gather(n_nodes: int, n_edges: int, d: int):
    info = plsc.get_sparse_core_info()
    nc, ns = info.num_cores, info.num_subcores
    nw = nc * ns
    assert n_edges % nw == 0
    b_per_w = n_edges // nw
    chunk = 40
    nbuf = 5
    lag = 3
    n_chunks = b_per_w // chunk
    tail = b_per_w - n_chunks * chunk
    pre_rows = 104
    assert chunk % 8 == 0 and tail % 8 == 0 and b_per_w % 8 == 0

    mesh = plsc.VectorSubcoreMesh(core_axis_name="c", subcore_axis_name="s")

    @functools.partial(
        pl.kernel,
        mesh=mesh,
        out_type=jax.ShapeDtypeStruct((n_edges, d), jnp.float32),
        scratch_types=[
            pltpu.VMEM((b_per_w,), jnp.int32),
            pltpu.VMEM((nbuf * chunk, d), jnp.float32),
            pltpu.VMEM((max(tail, 8), d), jnp.float32),
            pltpu.VMEM_SHARED((n_nodes, d), jnp.float32),
            pltpu.SemaphoreType.DMA((nbuf,)),
            pltpu.SemaphoreType.DMA((nbuf,)),
            pltpu.SemaphoreType.DMA,
            pltpu.SemaphoreType.DMA,
        ],
    )
    def gather_kernel(
        px_hbm, idx_hbm, out_hbm, idx_v, rows_v, tail_v, px_sh, gsem, ssem, tsem, stsem
    ):
        sid = lax.axis_index("s")
        wid = sid * nc + lax.axis_index("c")
        base = wid * b_per_w
        pltpu.async_copy(idx_hbm.at[pl.ds(base, b_per_w)], idx_v, tsem)

        rows_per_tile = 624
        n_pre = rows_per_tile // pre_rows
        for k in range(n_pre):
            off = sid * rows_per_tile + k * pre_rows
            pltpu.async_copy(
                px_hbm.at[pl.ds(off, pre_rows)], px_sh.at[pl.ds(off, pre_rows)], stsem
            )

        @pl.when(sid == 0)
        def _stage_rest():
            off = ns * rows_per_tile
            rest = n_nodes - ns * rows_per_tile
            pltpu.async_copy(px_hbm.at[pl.ds(off, rest)], px_sh.at[pl.ds(off, rest)], stsem)

        pltpu.make_async_copy(idx_hbm.at[pl.ds(0, b_per_w)], idx_v, tsem).wait()

        def start_gather(ci, b):
            idx_slice = idx_v.at[pl.ds(ci * chunk, chunk)]
            pltpu.async_copy(
                px_sh.at[idx_slice], rows_v.at[pl.ds(b * chunk, chunk)], gsem.at[b]
            )

        def wait_gather(b):
            pltpu.make_async_copy(
                px_sh.at[pl.ds(0, chunk)], rows_v.at[pl.ds(b * chunk, chunk)], gsem.at[b]
            ).wait()

        def start_store(ci, b):
            pltpu.async_copy(
                rows_v.at[pl.ds(b * chunk, chunk)],
                out_hbm.at[pl.ds(base + ci * chunk, chunk)],
                ssem.at[b],
            )

        def wait_store(b):
            pltpu.make_async_copy(
                rows_v.at[pl.ds(b * chunk, chunk)],
                out_hbm.at[pl.ds(0, chunk)],
                ssem.at[b],
            ).wait()

        def start_gather_hbm(ci, b):
            idx_slice = idx_v.at[pl.ds(ci * chunk, chunk)]
            pltpu.async_copy(
                px_hbm.at[idx_slice], rows_v.at[pl.ds(b * chunk, chunk)], gsem.at[b]
            )

        for i in range(lag):
            start_gather_hbm(i, i)
        for i in range(lag, nbuf):
            start_gather_hbm(i, i)
            wait_gather(i - lag)
            start_store(i - lag, i - lag)

        for k in range(n_pre):
            pltpu.make_async_copy(
                px_hbm.at[pl.ds(0, pre_rows)], px_sh.at[pl.ds(0, pre_rows)], stsem
            ).wait()

        @pl.when(sid == 0)
        def _drain_rest():
            rest = n_nodes - ns * rows_per_tile
            pltpu.make_async_copy(
                px_hbm.at[pl.ds(0, rest)], px_sh.at[pl.ds(0, rest)], stsem
            ).wait()

        plsc.subcore_barrier()

        if tail:
            pltpu.async_copy(
                px_sh.at[idx_v.at[pl.ds(n_chunks * chunk, tail)]], tail_v, tsem
            )

        assert (n_chunks - nbuf) % nbuf == 0 and tail % 8 == 0

        def step(g, carry):
            i0 = nbuf + g * nbuf
            for k in range(nbuf):
                wait_store(k)
                start_gather(i0 + k, k)
                wait_gather((k - lag) % nbuf)
                start_store(i0 + k - lag, (k - lag) % nbuf)
            return carry

        lax.fori_loop(0, (n_chunks - nbuf) // nbuf, step, 0)

        for j in range(n_chunks - lag, n_chunks):
            wait_gather(j % nbuf)
            start_store(j, j % nbuf)

        if tail:
            pltpu.make_async_copy(px_sh.at[pl.ds(0, tail)], tail_v, tsem).wait()
            pltpu.async_copy(
                tail_v, out_hbm.at[pl.ds(base + n_chunks * chunk, tail)], tsem
            )

        for b in range(nbuf):
            wait_store(b)
        if tail:
            pltpu.make_async_copy(tail_v, out_hbm.at[pl.ds(0, tail)], tsem).wait()

    return gather_kernel


def kernel(px, pair_i, pair_j, W):
    del pair_i, W
    n_nodes, d = px.shape
    (n_edges,) = pair_j.shape
    fn = _make_gather(n_nodes, n_edges, d)
    return fn(px, pair_j.astype(jnp.int32))

# --- scband reference (transcript-rebuilt; emitter-appended) ---
"""Pipeline reference for scband-pixlayer-86122684219994 (READ-ONLY COPY).

The authoritative reference and input builder live on the scoring server;
editing this copy changes nothing except your own understanding.
"""

import jax, jax.numpy as jnp
import numpy as np

N_NODES = 10000
N_EDGES = 320000
D_FEAT = 128

def setup_inputs(seed: int = 0) -> dict:
    key = jax.random.key(seed)
    k1, k2, k3, k4 = jax.random.split(key, 4)
    px = jax.random.normal(k1, (N_NODES, D_FEAT), dtype=jnp.float32)
    pair_i = jax.random.randint(k2, (N_EDGES,), 0, N_NODES, dtype=jnp.int64 if jax.config.jax_enable_x64 else jnp.int32)
    pair_j = jax.random.randint(k3, (N_EDGES,), 0, N_NODES, dtype=jnp.int64 if jax.config.jax_enable_x64 else jnp.int32)
    # Learned parameter from __init__: nn.Linear(128, 128, bias=False) weight.
    # It is unused in forward but materialized for completeness.
    W = jax.random.normal(k4, (D_FEAT, D_FEAT), dtype=jnp.float32) * (1.0 / np.sqrt(D_FEAT))
    return {"px": px, "pair_i": pair_i, "pair_j": pair_j, "W": W}

def reference(px, pair_i, pair_j, W):
    # Faithful translation of PIXLayer.forward: pure row gather px[pair_j].
    # (pair_i and W are unused, matching the original module.)
    px_j = jnp.take(px, pair_j, axis=0)
    return px_j

if __name__ == "__main__":
    import jax
    _d = setup_inputs()
    print(jax.jit(kernel)(*tuple(_d.values())))

</pallas_src>

<mosaic_0001>
#map = affine_map<(d0, d1) -> (0, 0)>
#map1 = affine_map<(d0, d1) -> (0)>
module attributes {stable_mosaic.version = 14 : i64} {
  func.func @gather_kernel(%arg0: i32, %arg1: i32, %arg2: memref<10000x128xf32, #tpu.memory_space<hbm>>, %arg3: memref<320000xi32, #tpu.memory_space<hbm>>, %arg4: memref<320000x128xf32, #tpu.memory_space<hbm>>, %arg5: memref<10000xi32, #tpu.memory_space<vmem>>, %arg6: memref<200x128xf32, #tpu.memory_space<vmem>>, %arg7: memref<8x128xf32, #tpu.memory_space<vmem>>, %arg8: memref<10000x128xf32, #tpu.memory_space<vmem_shared>>, %arg9: memref<5x!tpu.dma_semaphore, #tpu.memory_space<semaphore_mem>>, %arg10: memref<5x!tpu.dma_semaphore, #tpu.memory_space<semaphore_mem>>, %arg11: memref<!tpu.dma_semaphore, #tpu.memory_space<semaphore_mem>>, %arg12: memref<!tpu.dma_semaphore, #tpu.memory_space<semaphore_mem>>) attributes {dimension_semantics = [#tpu.dimension_semantics<core_parallel>, #tpu.dimension_semantics<subcore_parallel>], iteration_bounds = array<i64: 2, 16>, scalar_prefetch = 0 : i64, scratch_operands = 8 : i64, tpu.core_type = #tpu.core_type<sc_vector_subcore>, window_params = [{transform_indices = #map}, {transform_indices = #map1}, {transform_indices = #map}]} {
    %mul3A = arith.constant 2 : i32
    %mul3A_0 = arith.muli %arg1, %mul3A : i32
    %add3A = arith.addi %mul3A_0, %arg0 : i32
    %mul3A_1 = arith.constant 10000 : i32
    %mul3A_2 = arith.muli %add3A, %mul3A_1 : i32
    %dma_start3A = tpu.memref_slice %arg3[%mul3A_2] : memref<320000xi32, #tpu.memory_space<hbm>> -> memref<10000xi32, #tpu.memory_space<hbm>>
    %dma_start3A_3 = tpu.memref_slice %arg3[%mul3A_2] : memref<320000xi32, #tpu.memory_space<hbm>> -> memref<10000xi32, #tpu.memory_space<hbm>>
    tpu.enqueue_dma source(%dma_start3A_3 : memref<10000xi32, #tpu.memory_space<hbm>>) target(%arg5 : memref<10000xi32, #tpu.memory_space<vmem>>) target_semaphore(%arg11 : memref<!tpu.dma_semaphore, #tpu.memory_space<semaphore_mem>>)
    %mul3A_4 = arith.constant 624 : i32
    %mul3A_5 = arith.muli %arg1, %mul3A_4 : i32
    %add3A_6 = arith.constant 0 : i32
    %add3A_7 = arith.addi %mul3A_5, %add3A_6 : i32
    %dma_start3A_8 = arith.constant 0 : i32
    %dma_start3A_9 = tpu.memref_slice %arg8[%add3A_7, %dma_start3A_8] : memref<10000x128xf32, #tpu.memory_space<vmem_shared>> -> memref<104x128xf32, #tpu.memory_space<vmem_shared>>
    %dma_start3A_10 = arith.constant 0 : i32
    %dma_start3A_11 = tpu.memref_slice %arg2[%add3A_7, %dma_start3A_10] : memref<10000x128xf32, #tpu.memory_space<hbm>> -> memref<104x128xf32, #tpu.memory_space<hbm>>
    tpu.enqueue_dma source(%dma_start3A_11 : memref<104x128xf32, #tpu.memory_space<hbm>>) target(%dma_start3A_9 : memref<104x128xf32, #tpu.memory_space<vmem_shared>>) target_semaphore(%arg12 : memref<!tpu.dma_semaphore, #tpu.memory_space<semaphore_mem>>)
    %mul3A_12 = arith.constant 624 : i32
    %mul3A_13 = arith.muli %arg1, %mul3A_12 : i32
    %add3A_14 = arith.constant 104 : i32
    %add3A_15 = arith.addi %mul3A_13, %add3A_14 : i32
    %dma_start3A_16 = arith.constant 0 : i32
    %dma_start3A_17 = tpu.memref_slice %arg8[%add3A_15, %dma_start3A_16] : memref<10000x128xf32, #tpu.memory_space<vmem_shared>> -> memref<104x128xf32, #tpu.memory_space<vmem_shared>>
    %dma_start3A_18 = arith.constant 0 : i32
    %dma_start3A_19 = tpu.memref_slice %arg2[%add3A_15, %dma_start3A_18] : memref<10000x128xf32, #tpu.memory_space<hbm>> -> memref<104x128xf32, #tpu.memory_space<hbm>>
    tpu.enqueue_dma source(%dma_start3A_19 : memref<104x128xf32, #tpu.memory_space<hbm>>) target(%dma_start3A_17 : memref<104x128xf32, #tpu.memory_space<vmem_shared>>) target_semaphore(%arg12 : memref<!tpu.dma_semaphore, #tpu.memory_space<semaphore_mem>>)
    %mul3A_20 = arith.constant 624 : i32
    %mul3A_21 = arith.muli %arg1, %mul3A_20 : i32
    %add3A_22 = arith.constant 208 : i32
    %add3A_23 = arith.addi %mul3A_21, %add3A_22 : i32
    %dma_start3A_24 = arith.constant 0 : i32
    %dma_start3A_25 = tpu.memref_slice %arg8[%add3A_23, %dma_start3A_24] : memref<10000x128xf32, #tpu.memory_space<vmem_shared>> -> memref<104x128xf32, #tpu.memory_space<vmem_shared>>
    %dma_start3A_26 = arith.constant 0 : i32
    %dma_start3A_27 = tpu.memref_slice %arg2[%add3A_23, %dma_start3A_26] : memref<10000x128xf32, #tpu.memory_space<hbm>> -> memref<104x128xf32, #tpu.memory_space<hbm>>
    tpu.enqueue_dma source(%dma_start3A_27 : memref<104x128xf32, #tpu.memory_space<hbm>>) target(%dma_start3A_25 : memref<104x128xf32, #tpu.memory_space<vmem_shared>>) target_semaphore(%arg12 : memref<!tpu.dma_semaphore, #tpu.memory_space<semaphore_mem>>)
    %mul3A_28 = arith.constant 624 : i32
    %mul3A_29 = arith.muli %arg1, %mul3A_28 : i32
    %add3A_30 = arith.constant 312 : i32
    %add3A_31 = arith.addi %mul3A_29, %add3A_30 : i32
    %dma_start3A_32 = arith.constant 0 : i32
    %dma_start3A_33 = tpu.memref_slice %arg8[%add3A_31, %dma_start3A_32] : memref<10000x128xf32, #tpu.memory_space<vmem_shared>> -> memref<104x128xf32, #tpu.memory_space<vmem_shared>>
    %dma_start3A_34 = arith.constant 0 : i32
    %dma_start3A_35 = tpu.memref_slice %arg2[%add3A_31, %dma_start3A_34] : memref<10000x128xf32, #tpu.memory_space<hbm>> -> memref<104x128xf32, #tpu.memory_space<hbm>>
    tpu.enqueue_dma source(%dma_start3A_35 : memref<104x128xf32, #tpu.memory_space<hbm>>) target(%dma_start3A_33 : memref<104x128xf32, #tpu.memory_space<vmem_shared>>) target_semaphore(%arg12 : memref<!tpu.dma_semaphore, #tpu.memory_space<semaphore_mem>>)
    %mul3A_36 = arith.constant 624 : i32
    %mul3A_37 = arith.muli %arg1, %mul3A_36 : i32
    %add3A_38 = arith.constant 416 : i32
    %add3A_39 = arith.addi %mul3A_37, %add3A_38 : i32
    %dma_start3A_40 = arith.constant 0 : i32
    %dma_start3A_41 = tpu.memref_slice %arg8[%add3A_39, %dma_start3A_40] : memref<10000x128xf32, #tpu.memory_space<vmem_shared>> -> memref<104x128xf32, #tpu.memory_space<vmem_shared>>
    %dma_start3A_42 = arith.constant 0 : i32
    %dma_start3A_43 = tpu.memref_slice %arg2[%add3A_39, %dma_start3A_42] : memref<10000x128xf32, #tpu.memory_space<hbm>> -> memref<104x128xf32, #tpu.memory_space<hbm>>
    tpu.enqueue_dma source(%dma_start3A_43 : memref<104x128xf32, #tpu.memory_space<hbm>>) target(%dma_start3A_41 : memref<104x128xf32, #tpu.memory_space<vmem_shared>>) target_semaphore(%arg12 : memref<!tpu.dma_semaphore, #tpu.memory_space<semaphore_mem>>)
    %mul3A_44 = arith.constant 624 : i32
    %mul3A_45 = arith.muli %arg1, %mul3A_44 : i32
    %add3A_46 = arith.constant 520 : i32
    %add3A_47 = arith.addi %mul3A_45, %add3A_46 : i32
    %dma_start3A_48 = arith.constant 0 : i32
    %dma_start3A_49 = tpu.memref_slice %arg8[%add3A_47, %dma_start3A_48] : memref<10000x128xf32, #tpu.memory_space<vmem_shared>> -> memref<104x128xf32, #tpu.memory_space<vmem_shared>>
    %dma_start3A_50 = arith.constant 0 : i32
    %dma_start3A_51 = tpu.memref_slice %arg2[%add3A_47, %dma_start3A_50] : memref<10000x128xf32, #tpu.memory_space<hbm>> -> memref<104x128xf32, #tpu.memory_space<hbm>>
    tpu.enqueue_dma source(%dma_start3A_51 : memref<104x128xf32, #tpu.memory_space<hbm>>) target(%dma_start3A_49 : memref<104x128xf32, #tpu.memory_space<vmem_shared>>) target_semaphore(%arg12 : memref<!tpu.dma_semaphore, #tpu.memory_space<semaphore_mem>>)
    %eq3A = arith.constant 0 : i32
    %eq3A_52 = arith.cmpi eq, %arg1, %eq3A : i32
    %convert_element_type3A = arith.extui %eq3A_52 : i1 to i32
    %cond3A = arith.constant 0 : i32
    %cond3A_53 = arith.cmpi ne, %convert_element_type3A, %cond3A : i32
    scf.if %cond3A_53 {
      %dma_start3A_383 = arith.constant 9984 : i32
      %dma_start3A_384 = arith.constant 0 : i32
      %dma_start3A_385 = tpu.memref_slice %arg8[%dma_start3A_383, %dma_start3A_384] : memref<10000x128xf32, #tpu.memory_space<vmem_shared>> -> memref<16x128xf32, #tpu.memory_space<vmem_shared>>
      %dma_start3A_386 = arith.constant 9984 : i32
      %dma_start3A_387 = arith.constant 0 : i32
      %dma_start3A_388 = tpu.memref_slice %arg2[%dma_start3A_386, %dma_start3A_387] : memref<10000x128xf32, #tpu.memory_space<hbm>> -> memref<16x128xf32, #tpu.memory_space<hbm>>
      tpu.enqueue_dma source(%dma_start3A_388 : memref<16x128xf32, #tpu.memory_space<hbm>>) target(%dma_start3A_385 : memref<16x128xf32, #tpu.memory_space<vmem_shared>>) target_semaphore(%arg12 : memref<!tpu.dma_semaphore, #tpu.memory_space<semaphore_mem>>)
    } else {
    }
    %dma_wait3A = arith.constant 0 : i32
    %dma_wait3A_54 = tpu.memref_slice %arg3[%dma_wait3A] : memref<320000xi32, #tpu.memory_space<hbm>> -> memref<10000xi32, #tpu.memory_space<hbm>>
    %dma_wait3A_55 = arith.constant 0 : i32
    %dma_wait3A_56 = tpu.memref_slice %arg3[%dma_wait3A_55] : memref<320000xi32, #tpu.memory_space<hbm>> -> memref<10000xi32, #tpu.memory_space<hbm>>
    tpu.wait_dma2 semaphore(%arg11 : memref<!tpu.dma_semaphore, #tpu.memory_space<semaphore_mem>>) src(%dma_wait3A_56 : memref<10000xi32, #tpu.memory_space<hbm>>) dst(%arg5 : memref<10000xi32, #tpu.memory_space<vmem>>)
    %dma_start3A_57 = arith.constant 0 : i32
    %dma_start3A_58 = arith.constant 0 : i32
    %dma_start3A_59 = arith.constant 0 : i32
    %dma_start3A_60 = tpu.memref_slice %arg6[%dma_start3A_58, %dma_start3A_59] : memref<200x128xf32, #tpu.memory_space<vmem>> -> memref<40x128xf32, #tpu.memory_space<vmem>>
    %dma_start3A_61 = arith.constant 0 : i32
    %dma_start3A_62 = tpu.memref_slice %arg5[%dma_start3A_61] : memref<10000xi32, #tpu.memory_space<vmem>> -> memref<40xi32, #tpu.memory_space<vmem>>
    %dma_start3A_63 = arith.constant 0 : i32
    %dma_start3A_64 = arith.constant 0 : i32
    %dma_start3A_65 = tpu.memref_slice %arg2[%dma_start3A_63, %dma_start3A_64] : memref<10000x128xf32, #tpu.memory_space<hbm>> -> memref<10000x128xf32, #tpu.memory_space<hbm>>
    %dma_start3A_66 = tpu.memref_slice %arg9[%dma_start3A_57] : memref<5x!tpu.dma_semaphore, #tpu.memory_space<semaphore_mem>> -> memref<1x!tpu.dma_semaphore, #tpu.memory_space<semaphore_mem>>
    %dma_start3A_67 = tpu.memref_squeeze %dma_start3A_66 : memref<1x!tpu.dma_semaphore, #tpu.memory_space<semaphore_mem>> -> memref<!tpu.dma_semaphore, #tpu.memory_space<semaphore_mem>>
    tpu.enqueue_indirect_dma source(%dma_start3A_65 : memref<10000x128xf32, #tpu.memory_space<hbm>>) target(%dma_start3A_60 : memref<40x128xf32, #tpu.memory_space<vmem>>) offsets(%dma_start3A_62 : memref<40xi32, #tpu.memory_space<vmem>>) semaphore(%dma_start3A_67 : memref<!tpu.dma_semaphore, #tpu.memory_space<semaphore_mem>>)
    %dma_start3A_68 = arith.constant 1 : i32
    %dma_start3A_69 = arith.constant 40 : i32
    %dma_start3A_70 = arith.constant 0 : i32
    %dma_start3A_71 = tpu.memref_slice %arg6[%dma_start3A_69, %dma_start3A_70] : memref<200x128xf32, #tpu.memory_space<vmem>> -> memref<40x128xf32, #tpu.memory_space<vmem>>
    %dma_start3A_72 = arith.constant 40 : i32
    %dma_start3A_73 = tpu.memref_slice %arg5[%dma_start3A_72] : memref<10000xi32, #tpu.memory_space<vmem>> -> memref<40xi32, #tpu.memory_space<vmem>>
    %dma_start3A_74 = arith.constant 0 : i32
    %dma_start3A_75 = arith.constant 0 : i32
    %dma_start3A_76 = tpu.memref_slice %arg2[%dma_start3A_74, %dma_start3A_75] : memref<10000x128xf32, #tpu.memory_space<hbm>> -> memref<10000x128xf32, #tpu.memory_space<hbm>>
    %dma_start3A_77 = tpu.memref_slice %arg9[%dma_start3A_68] : memref<5x!tpu.dma_semaphore, #tpu.memory_space<semaphore_mem>> -> memref<1x!tpu.dma_semaphore, #tpu.memory_space<semaphore_mem>>
    %dma_start3A_78 = tpu.memref_squeeze %dma_start3A_77 : memref<1x!tpu.dma_semaphore, #tpu.memory_space<semaphore_mem>> -> memref<!tpu.dma_semaphore, #tpu.memory_space<semaphore_mem>>
    tpu.enqueue_indirect_dma source(%dma_start3A_76 : memref<10000x128xf32, #tpu.memory_space<hbm>>) target(%dma_start3A_71 : memref<40x128xf32, #tpu.memory_space<vmem>>) offsets(%dma_start3A_73 : memref<40xi32, #tpu.memory_space<vmem>>) semaphore(%dma_start3A_78 : memref<!tpu.dma_semaphore, #tpu.memory_space<semaphore_mem>>)
    %dma_start3A_79 = arith.constant 2 : i32
    %dma_start3A_80 = arith.constant 80 : i32
    %dma_start3A_81 = arith.constant 0 : i32
    %dma_start3A_82 = tpu.memref_slice %arg6[%dma_start3A_80, %dma_start3A_81] : memref<200x128xf32, #tpu.memory_space<vmem>> -> memref<40x128xf32, #tpu.memory_space<vmem>>
    %dma_start3A_83 = arith.constant 80 : i32
    %dma_start3A_84 = tpu.memref_slice %arg5[%dma_start3A_83] : memref<10000xi32, #tpu.memory_space<vmem>> -> memref<40xi32, #tpu.memory_space<vmem>>
    %dma_start3A_85 = arith.constant 0 : i32
    %dma_start3A_86 = arith.constant 0 : i32
    %dma_start3A_87 = tpu.memref_slice %arg2[%dma_start3A_85, %dma_start3A_86] : memref<10000x128xf32, #tpu.memory_space<hbm>> -> memref<10000x128xf32, #tpu.memory_space<hbm>>
    %dma_start3A_88 = tpu.memref_slice %arg9[%dma_start3A_79] : memref<5x!tpu.dma_semaphore, #tpu.memory_space<semaphore_mem>> -> memref<1x!tpu.dma_semaphore, #tpu.memory_space<semaphore_mem>>
    %dma_start3A_89 = tpu.memref_squeeze %dma_start3A_88 : memref<1x!tpu.dma_semaphore, #tpu.memory_space<semaphore_mem>> -> memref<!tpu.dma_semaphore, #tpu.memory_space<semaphore_mem>>
    tpu.enqueue_indirect_dma source(%dma_start3A_87 : memref<10000x128xf32, #tpu.memory_space<hbm>>) target(%dma_start3A_82 : memref<40x128xf32, #tpu.memory_space<vmem>>) offsets(%dma_start3A_84 : memref<40xi32, #tpu.memory_space<vmem>>) semaphore(%dma_start3A_89 : memref<!tpu.dma_semaphore, #tpu.memory_space<semaphore_mem>>)
    %dma_start3A_90 = arith.constant 3 : i32
    %dma_start3A_91 = arith.constant 120 : i32
    %dma_start3A_92 = arith.constant 0 : i32
    %dma_start3A_93 = tpu.memref_slice %arg6[%dma_start3A_91, %dma_start3A_92] : memref<200x128xf32, #tpu.memory_space<vmem>> -> memref<40x128xf32, #tpu.memory_space<vmem>>
    %dma_start3A_94 = arith.constant 120 : i32
    %dma_start3A_95 = tpu.memref_slice %arg5[%dma_start3A_94] : memref<10000xi32, #tpu.memory_space<vmem>> -> memref<40xi32, #tpu.memory_space<vmem>>
    %dma_start3A_96 = arith.constant 0 : i32
    %dma_start3A_97 = arith.constant 0 : i32
    %dma_start3A_98 = tpu.memref_slice %arg2[%dma_start3A_96, %dma_start3A_97] : memref<10000x128xf32, #tpu.memory_space<hbm>> -> memref<10000x128xf32, #tpu.memory_space<hbm>>
    %dma_start3A_99 = tpu.memref_slice %arg9[%dma_start3A_90] : memref<5x!tpu.dma_semaphore, #tpu.memory_space<semaphore_mem>> -> memref<1x!tpu.dma_semaphore, #tpu.memory_space<semaphore_mem>>
    %dma_start3A_100 = tpu.memref_squeeze %dma_start3A_99 : memref<1x!tpu.dma_semaphore, #tpu.memory_space<semaphore_mem>> -> memref<!tpu.dma_semaphore, #tpu.memory_space<semaphore_mem>>
    tpu.enqueue_indirect_dma source(%dma_start3A_98 : memref<10000x128xf32, #tpu.memory_space<hbm>>) target(%dma_start3A_93 : memref<40x128xf32, #tpu.memory_space<vmem>>) offsets(%dma_start3A_95 : memref<40xi32, #tpu.memory_space<vmem>>) semaphore(%dma_start3A_100 : memref<!tpu.dma_semaphore, #tpu.memory_space<semaphore_mem>>)
    %dma_wait3A_101 = arith.constant 0 : i32
    %dma_wait3A_102 = arith.constant 0 : i32
    %dma_wait3A_103 = arith.constant 0 : i32
    %dma_wait3A_104 = tpu.memref_slice %arg6[%dma_wait3A_102, %dma_wait3A_103] : memref<200x128xf32, #tpu.memory_space<vmem>> -> memref<40x128xf32, #tpu.memory_space<vmem>>
    %dma_wait3A_105 = arith.constant 0 : i32
    %dma_wait3A_106 = arith.constant 0 : i32
    %dma_wait3A_107 = tpu.memref_slice %arg8[%dma_wait3A_105, %dma_wait3A_106] : memref<10000x128xf32, #tpu.memory_space<vmem_shared>> -> memref<40x128xf32, #tpu.memory_space<vmem_shared>>
    %dma_wait3A_108 = tpu.memref_slice %arg9[%dma_wait3A_101] : memref<5x!tpu.dma_semaphore, #tpu.memory_space<semaphore_mem>> -> memref<1x!tpu.dma_semaphore, #tpu.memory_space<semaphore_mem>>
    %dma_wait3A_109 = tpu.memref_squeeze %dma_wait3A_108 : memref<1x!tpu.dma_semaphore, #tpu.memory_space<semaphore_mem>> -> memref<!tpu.dma_semaphore, #tpu.memory_space<semaphore_mem>>
    %dma_wait3A_110 = arith.constant 0 : i32
    %dma_wait3A_111 = arith.constant 0 : i32
    %dma_wait3A_112 = tpu.memref_slice %arg6[%dma_wait3A_110, %dma_wait3A_111] : memref<200x128xf32, #tpu.memory_space<vmem>> -> memref<40x128xf32, #tpu.memory_space<vmem>>
    %dma_wait3A_113 = arith.constant 0 : i32
    %dma_wait3A_114 = arith.constant 0 : i32
    %dma_wait3A_115 = tpu.memref_slice %arg8[%dma_wait3A_113, %dma_wait3A_114] : memref<10000x128xf32, #tpu.memory_space<vmem_shared>> -> memref<40x128xf32, #tpu.memory_space<vmem_shared>>
    tpu.wait_dma2 semaphore(%dma_wait3A_109 : memref<!tpu.dma_semaphore, #tpu.memory_space<semaphore_mem>>) src(%dma_wait3A_115 : memref<40x128xf32, #tpu.memory_space<vmem_shared>>) dst(%dma_wait3A_112 : memref<40x128xf32, #tpu.memory_space<vmem>>)
    %add3A_116 = arith.constant 0 : i32
    %add3A_117 = arith.addi %mul3A_2, %add3A_116 : i32
    %dma_start3A_118 = arith.constant 0 : i32
    %dma_start3A_119 = arith.constant 0 : i32
    %dma_start3A_120 = arith.constant 0 : i32
    %dma_start3A_121 = tpu.memref_slice %arg6[%dma_start3A_119, %dma_start3A_120] : memref<200x128xf32, #tpu.memory_space<vmem>> -> memref<40x128xf32, #tpu.memory_space<vmem>>
    %dma_start3A_122 = arith.constant 0 : i32
    %dma_start3A_123 = tpu.memref_slice %arg4[%add3A_117, %dma_start3A_122] : memref<320000x128xf32, #tpu.memory_space<hbm>> -> memref<40x128xf32, #tpu.memory_space<hbm>>
    %dma_start3A_124 = tpu.memref_slice %arg10[%dma_start3A_118] : memref<5x!tpu.dma_semaphore, #tpu.memory_space<semaphore_mem>> -> memref<1x!tpu.dma_semaphore, #tpu.memory_space<semaphore_mem>>
    %dma_start3A_125 = tpu.memref_squeeze %dma_start3A_124 : memref<1x!tpu.dma_semaphore, #tpu.memory_space<semaphore_mem>> -> memref<!tpu.dma_semaphore, #tpu.memory_space<semaphore_mem>>
    %dma_start3A_126 = arith.constant 0 : i32
    %dma_start3A_127 = tpu.memref_slice %arg4[%add3A_117, %dma_start3A_126] : memref<320000x128xf32, #tpu.memory_space<hbm>> -> memref<40x128xf32, #tpu.memory_space<hbm>>
    %dma_start3A_128 = arith.constant 0 : i32
    %dma_start3A_129 = arith.constant 0 : i32
    %dma_start3A_130 = tpu.memref_slice %arg6[%dma_start3A_128, %dma_start3A_129] : memref<200x128xf32, #tpu.memory_space<vmem>> -> memref<40x128xf32, #tpu.memory_space<vmem>>
    tpu.enqueue_dma source(%dma_start3A_130 : memref<40x128xf32, #tpu.memory_space<vmem>>) target(%dma_start3A_127 : memref<40x128xf32, #tpu.memory_space<hbm>>) target_semaphore(%dma_start3A_125 : memref<!tpu.dma_semaphore, #tpu.memory_space<semaphore_mem>>)
    %dma_start3A_131 = arith.constant 4 : i32
    %dma_start3A_132 = arith.constant 160 : i32
    %dma_start3A_133 = arith.constant 0 : i32
    %dma_start3A_134 = tpu.memref_slice %arg6[%dma_start3A_132, %dma_start3A_133] : memref<200x128xf32, #tpu.memory_space<vmem>> -> memref<40x128xf32, #tpu.memory_space<vmem>>
    %dma_start3A_135 = arith.constant 160 : i32
    %dma_start3A_136 = tpu.memref_slice %arg5[%dma_start3A_135] : memref<10000xi32, #tpu.memory_space<vmem>> -> memref<40xi32, #tpu.memory_space<vmem>>
    %dma_start3A_137 = arith.constant 0 : i32
    %dma_start3A_138 = arith.constant 0 : i32
    %dma_start3A_139 = tpu.memref_slice %arg2[%dma_start3A_137, %dma_start3A_138] : memref<10000x128xf32, #tpu.memory_space<hbm>> -> memref<10000x128xf32, #tpu.memory_space<hbm>>
    %dma_start3A_140 = tpu.memref_slice %arg9[%dma_start3A_131] : memref<5x!tpu.dma_semaphore, #tpu.memory_space<semaphore_mem>> -> memref<1x!tpu.dma_semaphore, #tpu.memory_space<semaphore_mem>>
    %dma_start3A_141 = tpu.memref_squeeze %dma_start3A_140 : memref<1x!tpu.dma_semaphore, #tpu.memory_space<semaphore_mem>> -> memref<!tpu.dma_semaphore, #tpu.memory_space<semaphore_mem>>
    tpu.enqueue_indirect_dma source(%dma_start3A_139 : memref<10000x128xf32, #tpu.memory_space<hbm>>) target(%dma_start3A_134 : memref<40x128xf32, #tpu.memory_space<vmem>>) offsets(%dma_start3A_136 : memref<40xi32, #tpu.memory_space<vmem>>) semaphore(%dma_start3A_141 : memref<!tpu.dma_semaphore, #tpu.memory_space<semaphore_mem>>)
    %dma_wait3A_142 = arith.constant 1 : i32
    %dma_wait3A_143 = arith.constant 40 : i32
    %dma_wait3A_144 = arith.constant 0 : i32
    %dma_wait3A_145 = tpu.memref_slice %arg6[%dma_wait3A_143, %dma_wait3A_144] : memref<200x128xf32, #tpu.memory_space<vmem>> -> memref<40x128xf32, #tpu.memory_space<vmem>>
    %dma_wait3A_146 = arith.constant 0 : i32
    %dma_wait3A_147 = arith.constant 0 : i32
    %dma_wait3A_148 = tpu.memref_slice %arg8[%dma_wait3A_146, %dma_wait3A_147] : memref<10000x128xf32, #tpu.memory_space<vmem_shared>> -> memref<40x128xf32, #tpu.memory_space<vmem_shared>>
    %dma_wait3A_149 = tpu.memref_slice %arg9[%dma_wait3A_142] : memref<5x!tpu.dma_semaphore, #tpu.memory_space<semaphore_mem>> -> memref<1x!tpu.dma_semaphore, #tpu.memory_space<semaphore_mem>>
    %dma_wait3A_150 = tpu.memref_squeeze %dma_wait3A_149 : memref<1x!tpu.dma_semaphore, #tpu.memory_space<semaphore_mem>> -> memref<!tpu.dma_semaphore, #tpu.memory_space<semaphore_mem>>
    %dma_wait3A_151 = arith.constant 40 : i32
    %dma_wait3A_152 = arith.constant 0 : i32
    %dma_wait3A_153 = tpu.memref_slice %arg6[%dma_wait3A_151, %dma_wait3A_152] : memref<200x128xf32, #tpu.memory_space<vmem>> -> memref<40x128xf32, #tpu.memory_space<vmem>>
    %dma_wait3A_154 = arith.constant 0 : i32
    %dma_wait3A_155 = arith.constant 0 : i32
    %dma_wait3A_156 = tpu.memref_slice %arg8[%dma_wait3A_154, %dma_wait3A_155] : memref<10000x128xf32, #tpu.memory_space<vmem_shared>> -> memref<40x128xf32, #tpu.memory_space<vmem_shared>>
    tpu.wait_dma2 semaphore(%dma_wait3A_150 : memref<!tpu.dma_semaphore, #tpu.memory_space<semaphore_mem>>) src(%dma_wait3A_156 : memref<40x128xf32, #tpu.memory_space<vmem_shared>>) dst(%dma_wait3A_153 : memref<40x128xf32, #tpu.memory_space<vmem>>)
    %add3A_157 = arith.constant 40 : i32
    %add3A_158 = arith.addi %mul3A_2, %add3A_157 : i32
    %dma_start3A_159 = arith.constant 1 : i32
    %dma_start3A_160 = arith.constant 40 : i32
    %dma_start3A_161 = arith.constant 0 : i32
    %dma_start3A_162 = tpu.memref_slice %arg6[%dma_start3A_160, %dma_start3A_161] : memref<200x128xf32, #tpu.memory_space<vmem>> -> memref<40x128xf32, #tpu.memory_space<vmem>>
    %dma_start3A_163 = arith.constant 0 : i32
    %dma_start3A_164 = tpu.memref_slice %arg4[%add3A_158, %dma_start3A_163] : memref<320000x128xf32, #tpu.memory_space<hbm>> -> memref<40x128xf32, #tpu.memory_space<hbm>>
    %dma_start3A_165 = tpu.memref_slice %arg10[%dma_start3A_159] : memref<5x!tpu.dma_semaphore, #tpu.memory_space<semaphore_mem>> -> memref<1x!tpu.dma_semaphore, #tpu.memory_space<semaphore_mem>>
    %dma_start3A_166 = tpu.memref_squeeze %dma_start3A_165 : memref<1x!tpu.dma_semaphore, #tpu.memory_space<semaphore_mem>> -> memref<!tpu.dma_semaphore, #tpu.memory_space<semaphore_mem>>
    %dma_start3A_167 = arith.constant 0 : i32
    %dma_start3A_168 = tpu.memref_slice %arg4[%add3A_158, %dma_start3A_167] : memref<320000x128xf32, #tpu.memory_space<hbm>> -> memref<40x128xf32, #tpu.memory_space<hbm>>
    %dma_start3A_169 = arith.constant 40 : i32
    %dma_start3A_170 = arith.constant 0 : i32
    %dma_start3A_171 = tpu.memref_slice %arg6[%dma_start3A_169, %dma_start3A_170] : memref<200x128xf32, #tpu.memory_space<vmem>> -> memref<40x128xf32, #tpu.memory_space<vmem>>
    tpu.enqueue_dma source(%dma_start3A_171 : memref<40x128xf32, #tpu.memory_space<vmem>>) target(%dma_start3A_168 : memref<40x128xf32, #tpu.memory_space<hbm>>) target_semaphore(%dma_start3A_166 : memref<!tpu.dma_semaphore, #tpu.memory_space<semaphore_mem>>)
    %dma_wait3A_172 = arith.constant 0 : i32
    %dma_wait3A_173 = arith.constant 0 : i32
    %dma_wait3A_174 = tpu.memref_slice %arg8[%dma_wait3A_172, %dma_wait3A_173] : memref<10000x128xf32, #tpu.memory_space<vmem_shared>> -> memref<104x128xf32, #tpu.memory_space<vmem_shared>>
    %dma_wait3A_175 = arith.constant 0 : i32
    %dma_wait3A_176 = arith.constant 0 : i32
    %dma_wait3A_177 = tpu.memref_slice %arg2[%dma_wait3A_175, %dma_wait3A_176] : memref<10000x128xf32, #tpu.memory_space<hbm>> -> memref<104x128xf32, #tpu.memory_space<hbm>>
    tpu.wait_dma2 semaphore(%arg12 : memref<!tpu.dma_semaphore, #tpu.memory_space<semaphore_mem>>) src(%dma_wait3A_177 : memref<104x128xf32, #tpu.memory_space<hbm>>) dst(%dma_wait3A_174 : memref<104x128xf32, #tpu.memory_space<vmem_shared>>)
    %dma_wait3A_178 = arith.constant 0 : i32
    %dma_wait3A_179 = arith.constant 0 : i32
    %dma_wait3A_180 = tpu.memref_slice %arg8[%dma_wait3A_178, %dma_wait3A_179] : memref<10000x128xf32, #tpu.memory_space<vmem_shared>> -> memref<104x128xf32, #tpu.memory_space<vmem_shared>>
    %dma_wait3A_181 = arith.constant 0 : i32
    %dma_wait3A_182 = arith.constant 0 : i32
    %dma_wait3A_183 = tpu.memref_slice %arg2[%dma_wait3A_181, %dma_wait3A_182] : memref<10000x128xf32, #tpu.memory_space<hbm>> -> memref<104x128xf32, #tpu.memory_space<hbm>>
    tpu.wait_dma2 semaphore(%arg12 : memref<!tpu.dma_semaphore, #tpu.memory_space<semaphore_mem>>) src(%dma_wait3A_183 : memref<104x128xf32, #tpu.memory_space<hbm>>) dst(%dma_wait3A_180 : memref<104x128xf32, #tpu.memory_space<vmem_shared>>)
    %dma_wait3A_184 = arith.constant 0 : i32
    %dma_wait3A_185 = arith.constant 0 : i32
    %dma_wait3A_186 = tpu.memref_slice %arg8[%dma_wait3A_184, %dma_wait3A_185] : memref<10000x128xf32, #tpu.memory_space<vmem_shared>> -> memref<104x128xf32, #tpu.memory_space<vmem_shared>>
    %dma_wait3A_187 = arith.constant 0 : i32
    %dma_wait3A_188 = arith.constant 0 : i32
    %dma_wait3A_189 = tpu.memref_slice %arg2[%dma_wait3A_187, %dma_wait3A_188] : memref<10000x128xf32, #tpu.memory_space<hbm>> -> memref<104x128xf32, #tpu.memory_space<hbm>>
    tpu.wait_dma2 semaphore(%arg12 : memref<!tpu.dma_semaphore, #tpu.memory_space<semaphore_mem>>) src(%dma_wait3A_189 : memref<104x128xf32, #tpu.memory_space<hbm>>) dst(%dma_wait3A_186 : memref<104x128xf32, #tpu.memory_space<vmem_shared>>)
    %dma_wait3A_190 = arith.constant 0 : i32
    %dma_wait3A_191 = arith.constant 0 : i32
    %dma_wait3A_192 = tpu.memref_slice %arg8[%dma_wait3A_190, %dma_wait3A_191] : memref<10000x128xf32, #tpu.memory_space<vmem_shared>> -> memref<104x128xf32, #tpu.memory_space<vmem_shared>>
    %dma_wait3A_193 = arith.constant 0 : i32
    %dma_wait3A_194 = arith.constant 0 : i32
    %dma_wait3A_195 = tpu.memref_slice %arg2[%dma_wait3A_193, %dma_wait3A_194] : memref<10000x128xf32, #tpu.memory_space<hbm>> -> memref<104x128xf32, #tpu.memory_space<hbm>>
    tpu.wait_dma2 semaphore(%arg12 : memref<!tpu.dma_semaphore, #tpu.memory_space<semaphore_mem>>) src(%dma_wait3A_195 : memref<104x128xf32, #tpu.memory_space<hbm>>) dst(%dma_wait3A_192 : memref<104x128xf32, #tpu.memory_space<vmem_shared>>)
    %dma_wait3A_196 = arith.constant 0 : i32
    %dma_wait3A_197 = arith.constant 0 : i32
    %dma_wait3A_198 = tpu.memref_slice %arg8[%dma_wait3A_196, %dma_wait3A_197] : memref<10000x128xf32, #tpu.memory_space<vmem_shared>> -> memref<104x128xf32, #tpu.memory_space<vmem_shared>>
    %dma_wait3A_199 = arith.constant 0 : i32
    %dma_wait3A_200 = arith.constant 0 : i32
    %dma_wait3A_201 = tpu.memref_slice %arg2[%dma_wait3A_199, %dma_wait3A_200] : memref<10000x128xf32, #tpu.memory_space<hbm>> -> memref<104x128xf32, #tpu.memory_space<hbm>>
    tpu.wait_dma2 semaphore(%arg12 : memref<!tpu.dma_semaphore, #tpu.memory_space<semaphore_mem>>) src(%dma_wait3A_201 : memref<104x128xf32, #tpu.memory_space<hbm>>) dst(%dma_wait3A_198 : memref<104x128xf32, #tpu.memory_space<vmem_shared>>)
    %dma_wait3A_202 = arith.constant 0 : i32
    %dma_wait3A_203 = arith.constant 0 : i32
    %dma_wait3A_204 = tpu.memref_slice %arg8[%dma_wait3A_202, %dma_wait3A_203] : memref<10000x128xf32, #tpu.memory_space<vmem_shared>> -> memref<104x128xf32, #tpu.memory_space<vmem_shared>>
    %dma_wait3A_205 = arith.constant 0 : i32
    %dma_wait3A_206 = arith.constant 0 : i32
    %dma_wait3A_207 = tpu.memref_slice %arg2[%dma_wait3A_205, %dma_wait3A_206] : memref<10000x128xf32, #tpu.memory_space<hbm>> -> memref<104x128xf32, #tpu.memory_space<hbm>>
    tpu.wait_dma2 semaphore(%arg12 : memref<!tpu.dma_semaphore, #tpu.memory_space<semaphore_mem>>) src(%dma_wait3A_207 : memref<104x128xf32, #tpu.memory_space<hbm>>) dst(%dma_wait3A_204 : memref<104x128xf32, #tpu.memory_space<vmem_shared>>)
    %eq3A_208 = arith.constant 0 : i32
    %eq3A_209 = arith.cmpi eq, %arg1, %eq3A_208 : i32
    %convert_element_type3A_210 = arith.extui %eq3A_209 : i1 to i32
    %cond3A_211 = arith.constant 0 : i32
    %cond3A_212 = arith.cmpi ne, %convert_element_type3A_210, %cond3A_211 : i32
    scf.if %cond3A_212 {
      %dma_wait3A_383 = arith.constant 0 : i32
      %dma_wait3A_384 = arith.constant 0 : i32
      %dma_wait3A_385 = tpu.memref_slice %arg8[%dma_wait3A_383, %dma_wait3A_384] : memref<10000x128xf32, #tpu.memory_space<vmem_shared>> -> memref<16x128xf32, #tpu.memory_space<vmem_shared>>
      %dma_wait3A_386 = arith.constant 0 : i32
      %dma_wait3A_387 = arith.constant 0 : i32
      %dma_wait3A_388 = tpu.memref_slice %arg2[%dma_wait3A_386, %dma_wait3A_387] : memref<10000x128xf32, #tpu.memory_space<hbm>> -> memref<16x128xf32, #tpu.memory_space<hbm>>
      tpu.wait_dma2 semaphore(%arg12 : memref<!tpu.dma_semaphore, #tpu.memory_space<semaphore_mem>>) src(%dma_wait3A_388 : memref<16x128xf32, #tpu.memory_space<hbm>>) dst(%dma_wait3A_385 : memref<16x128xf32, #tpu.memory_space<vmem_shared>>)
    } else {
    }
    %barrier3A = arith.constant 0 : index
    tpu.barrier barrier_id(%barrier3A)
    %scan3A = arith.constant 0 : i32
    %scan3A_213 = arith.constant 0 : i32
    %scan3A_214 = arith.constant 49 : i32
    %scan3A_215 = arith.addi %scan3A_213, %scan3A_214 : i32
    %scan3A_216 = arith.constant 1 : i32
    scf.for %scan3A_383 = %scan3A_213 to %scan3A_215 step %scan3A_216  : i32 {
      %mul3A_384 = arith.constant 5 : i32
      %mul3A_385 = arith.muli %scan3A_383, %mul3A_384 : i32
      %add3A_386 = arith.constant 5 : i32
      %add3A_387 = arith.addi %add3A_386, %mul3A_385 : i32
      %dma_wait3A_388 = arith.constant 0 : i32
      %dma_wait3A_389 = arith.constant 0 : i32
      %dma_wait3A_390 = arith.constant 0 : i32
      %dma_wait3A_391 = tpu.memref_slice %arg6[%dma_wait3A_389, %dma_wait3A_390] : memref<200x128xf32, #tpu.memory_space<vmem>> -> memref<40x128xf32, #tpu.memory_space<vmem>>
      %dma_wait3A_392 = arith.constant 0 : i32
      %dma_wait3A_393 = arith.constant 0 : i32
      %dma_wait3A_394 = tpu.memref_slice %arg4[%dma_wait3A_392, %dma_wait3A_393] : memref<320000x128xf32, #tpu.memory_space<hbm>> -> memref<40x128xf32, #tpu.memory_space<hbm>>
      %dma_wait3A_395 = tpu.memref_slice %arg10[%dma_wait3A_388] : memref<5x!tpu.dma_semaphore, #tpu.memory_space<semaphore_mem>> -> memref<1x!tpu.dma_semaphore, #tpu.memory_space<semaphore_mem>>
      %dma_wait3A_396 = tpu.memref_squeeze %dma_wait3A_395 : memref<1x!tpu.dma_semaphore, #tpu.memory_space<semaphore_mem>> -> memref<!tpu.dma_semaphore, #tpu.memory_space<semaphore_mem>>
      %dma_wait3A_397 = arith.constant 0 : i32
      %dma_wait3A_398 = arith.constant 0 : i32
      %dma_wait3A_399 = tpu.memref_slice %arg4[%dma_wait3A_397, %dma_wait3A_398] : memref<320000x128xf32, #tpu.memory_space<hbm>> -> memref<40x128xf32, #tpu.memory_space<hbm>>
      %dma_wait3A_400 = arith.constant 0 : i32
      %dma_wait3A_401 = arith.constant 0 : i32
      %dma_wait3A_402 = tpu.memref_slice %arg6[%dma_wait3A_400, %dma_wait3A_401] : memref<200x128xf32, #tpu.memory_space<vmem>> -> memref<40x128xf32, #tpu.memory_space<vmem>>
      tpu.wait_dma2 semaphore(%dma_wait3A_396 : memref<!tpu.dma_semaphore, #tpu.memory_space<semaphore_mem>>) src(%dma_wait3A_402 : memref<40x128xf32, #tpu.memory_space<vmem>>) dst(%dma_wait3A_399 : memref<40x128xf32, #tpu.memory_space<hbm>>)
      %add3A_403 = arith.constant 0 : i32
      %add3A_404 = arith.addi %add3A_387, %add3A_403 : i32
      %mul3A_405 = arith.constant 40 : i32
      %mul3A_406 = arith.muli %add3A_404, %mul3A_405 : i32
      %dma_start3A_407 = arith.constant 0 : i32
      %dma_start3A_408 = arith.constant 0 : i32
      %dma_start3A_409 = arith.constant 0 : i32
      %dma_start3A_410 = tpu.memref_slice %arg6[%dma_start3A_408, %dma_start3A_409] : memref<200x128xf32, #tpu.memory_space<vmem>> -> memref<40x128xf32, #tpu.memory_space<vmem>>
      %dma_start3A_411 = tpu.memref_slice %arg5[%mul3A_406] : memref<10000xi32, #tpu.memory_space<vmem>> -> memref<40xi32, #tpu.memory_space<vmem>>
      %dma_start3A_412 = arith.constant 0 : i32
      %dma_start3A_413 = arith.constant 0 : i32
      %dma_start3A_414 = tpu.memref_slice %arg8[%dma_start3A_412, %dma_start3A_413] : memref<10000x128xf32, #tpu.memory_space<vmem_shared>> -> memref<10000x128xf32, #tpu.memory_space<vmem_shared>>
      %dma_start3A_415 = tpu.memref_slice %arg9[%dma_start3A_407] : memref<5x!tpu.dma_semaphore, #tpu.memory_space<semaphore_mem>> -> memref<1x!tpu.dma_semaphore, #tpu.memory_space<semaphore_mem>>
      %dma_start3A_416 = tpu.memref_squeeze %dma_start3A_415 : memref<1x!tpu.dma_semaphore, #tpu.memory_space<semaphore_mem>> -> memref<!tpu.dma_semaphore, #tpu.memory_space<semaphore_mem>>
      tpu.enqueue_indirect_dma source(%dma_start3A_414 : memref<10000x128xf32, #tpu.memory_space<vmem_shared>>) target(%dma_start3A_410 : memref<40x128xf32, #tpu.memory_space<vmem>>) offsets(%dma_start3A_411 : memref<40xi32, #tpu.memory_space<vmem>>) semaphore(%dma_start3A_416 : memref<!tpu.dma_semaphore, #tpu.memory_space<semaphore_mem>>)
      %dma_wait3A_417 = arith.constant 2 : i32
      %dma_wait3A_418 = arith.constant 80 : i32
      %dma_wait3A_419 = arith.constant 0 : i32
      %dma_wait3A_420 = tpu.memref_slice %arg6[%dma_wait3A_418, %dma_wait3A_419] : memref<200x128xf32, #tpu.memory_space<vmem>> -> memref<40x128xf32, #tpu.memory_space<vmem>>
      %dma_wait3A_421 = arith.constant 0 : i32
      %dma_wait3A_422 = arith.constant 0 : i32
      %dma_wait3A_423 = tpu.memref_slice %arg8[%dma_wait3A_421, %dma_wait3A_422] : memref<10000x128xf32, #tpu.memory_space<vmem_shared>> -> memref<40x128xf32, #tpu.memory_space<vmem_shared>>
      %dma_wait3A_424 = tpu.memref_slice %arg9[%dma_wait3A_417] : memref<5x!tpu.dma_semaphore, #tpu.memory_space<semaphore_mem>> -> memref<1x!tpu.dma_semaphore, #tpu.memory_space<semaphore_mem>>
      %dma_wait3A_425 = tpu.memref_squeeze %dma_wait3A_424 : memref<1x!tpu.dma_semaphore, #tpu.memory_space<semaphore_mem>> -> memref<!tpu.dma_semaphore, #tpu.memory_space<semaphore_mem>>
      %dma_wait3A_426 = arith.constant 80 : i32
      %dma_wait3A_427 = arith.constant 0 : i32
      %dma_wait3A_428 = tpu.memref_slice %arg6[%dma_wait3A_426, %dma_wait3A_427] : memref<200x128xf32, #tpu.memory_space<vmem>> -> memref<40x128xf32, #tpu.memory_space<vmem>>
      %dma_wait3A_429 = arith.constant 0 : i32
      %dma_wait3A_430 = arith.constant 0 : i32
      %dma_wait3A_431 = tpu.memref_slice %arg8[%dma_wait3A_429, %dma_wait3A_430] : memref<10000x128xf32, #tpu.memory_space<vmem_shared>> -> memref<40x128xf32, #tpu.memory_space<vmem_shared>>
      tpu.wait_dma2 semaphore(%dma_wait3A_425 : memref<!tpu.dma_semaphore, #tpu.memory_space<semaphore_mem>>) src(%dma_wait3A_431 : memref<40x128xf32, #tpu.memory_space<vmem_shared>>) dst(%dma_wait3A_428 : memref<40x128xf32, #tpu.memory_space<vmem>>)
      %add3A_432 = arith.constant 0 : i32
      %add3A_433 = arith.addi %add3A_387, %add3A_432 : i32
      %sub3A = arith.constant 3 : i32
      %sub3A_434 = arith.subi %add3A_433, %sub3A : i32
      %mul3A_435 = arith.constant 40 : i32
      %mul3A_436 = arith.muli %sub3A_434, %mul3A_435 : i32
      %add3A_437 = arith.addi %mul3A_2, %mul3A_436 : i32
      %dma_start3A_438 = arith.constant 2 : i32
      %dma_start3A_439 = arith.constant 80 : i32
      %dma_start3A_440 = arith.constant 0 : i32
      %dma_start3A_441 = tpu.memref_slice %arg6[%dma_start3A_439, %dma_start3A_440] : memref<200x128xf32, #tpu.memory_space<vmem>> -> memref<40x128xf32, #tpu.memory_space<vmem>>
      %dma_start3A_442 = arith.constant 0 : i32
      %dma_start3A_443 = tpu.memref_slice %arg4[%add3A_437, %dma_start3A_442] : memref<320000x128xf32, #tpu.memory_space<hbm>> -> memref<40x128xf32, #tpu.memory_space<hbm>>
      %dma_start3A_444 = tpu.memref_slice %arg10[%dma_start3A_438] : memref<5x!tpu.dma_semaphore, #tpu.memory_space<semaphore_mem>> -> memref<1x!tpu.dma_semaphore, #tpu.memory_space<semaphore_mem>>
      %dma_start3A_445 = tpu.memref_squeeze %dma_start3A_444 : memref<1x!tpu.dma_semaphore, #tpu.memory_space<semaphore_mem>> -> memref<!tpu.dma_semaphore, #tpu.memory_space<semaphore_mem>>
      %dma_start3A_446 = arith.constant 0 : i32
      %dma_start3A_447 = tpu.memref_slice %arg4[%add3A_437, %dma_start3A_446] : memref<320000x128xf32, #tpu.memory_space<hbm>> -> memref<40x128xf32, #tpu.memory_space<hbm>>
      %dma_start3A_448 = arith.constant 80 : i32
      %dma_start3A_449 = arith.constant 0 : i32
      %dma_start3A_450 = tpu.memref_slice %arg6[%dma_start3A_448, %dma_start3A_449] : memref<200x128xf32, #tpu.memory_space<vmem>> -> memref<40x128xf32, #tpu.memory_space<vmem>>
      tpu.enqueue_dma source(%dma_start3A_450 : memref<40x128xf32, #tpu.memory_space<vmem>>) target(%dma_start3A_447 : memref<40x128xf32, #tpu.memory_space<hbm>>) target_semaphore(%dma_start3A_445 : memref<!tpu.dma_semaphore, #tpu.memory_space<semaphore_mem>>)
      %dma_wait3A_451 = arith.constant 1 : i32
      %dma_wait3A_452 = arith.constant 40 : i32
      %dma_wait3A_453 = arith.constant 0 : i32
      %dma_wait3A_454 = tpu.memref_slice %arg6[%dma_wait3A_452, %dma_wait3A_453] : memref<200x128xf32, #tpu.memory_space<vmem>> -> memref<40x128xf32, #tpu.memory_space<vmem>>
      %dma_wait3A_455 = arith.constant 0 : i32
      %dma_wait3A_456 = arith.constant 0 : i32
      %dma_wait3A_457 = tpu.memref_slice %arg4[%dma_wait3A_455, %dma_wait3A_456] : memref<320000x128xf32, #tpu.memory_space<hbm>> -> memref<40x128xf32, #tpu.memory_space<hbm>>
      %dma_wait3A_458 = tpu.memref_slice %arg10[%dma_wait3A_451] : memref<5x!tpu.dma_semaphore, #tpu.memory_space<semaphore_mem>> -> memref<1x!tpu.dma_semaphore, #tpu.memory_space<semaphore_mem>>
      %dma_wait3A_459 = tpu.memref_squeeze %dma_wait3A_458 : memref<1x!tpu.dma_semaphore, #tpu.memory_space<semaphore_mem>> -> memref<!tpu.dma_semaphore, #tpu.memory_space<semaphore_mem>>
      %dma_wait3A_460 = arith.constant 0 : i32
      %dma_wait3A_461 = arith.constant 0 : i32
      %dma_wait3A_462 = tpu.memref_slice %arg4[%dma_wait3A_460, %dma_wait3A_461] : memref<320000x128xf32, #tpu.memory_space<hbm>> -> memref<40x128xf32, #tpu.memory_space<hbm>>
      %dma_wait3A_463 = arith.constant 40 : i32
      %dma_wait3A_464 = arith.constant 0 : i32
      %dma_wait3A_465 = tpu.memref_slice %arg6[%dma_wait3A_463, %dma_wait3A_464] : memref<200x128xf32, #tpu.memory_space<vmem>> -> memref<40x128xf32, #tpu.memory_space<vmem>>
      tpu.wait_dma2 semaphore(%dma_wait3A_459 : memref<!tpu.dma_semaphore, #tpu.memory_space<semaphore_mem>>) src(%dma_wait3A_465 : memref<40x128xf32, #tpu.memory_space<vmem>>) dst(%dma_wait3A_462 : memref<40x128xf32, #tpu.memory_space<hbm>>)
      %add3A_466 = arith.constant 1 : i32
      %add3A_467 = arith.addi %add3A_387, %add3A_466 : i32
      %mul3A_468 = arith.constant 40 : i32
      %mul3A_469 = arith.muli %add3A_467, %mul3A_468 : i32
      %dma_start3A_470 = arith.constant 1 : i32
      %dma_start3A_471 = arith.constant 40 : i32
      %dma_start3A_472 = arith.constant 0 : i32
      %dma_start3A_473 = tpu.memref_slice %arg6[%dma_start3A_471, %dma_start3A_472] : memref<200x128xf32, #tpu.memory_space<vmem>> -> memref<40x128xf32, #tpu.memory_space<vmem>>
      %dma_start3A_474 = tpu.memref_slice %arg5[%mul3A_469] : memref<10000xi32, #tpu.memory_space<vmem>> -> memref<40xi32, #tpu.memory_space<vmem>>
      %dma_start3A_475 = arith.constant 0 : i32
      %dma_start3A_476 = arith.constant 0 : i32
      %dma_start3A_477 = tpu.memref_slice %arg8[%dma_start3A_475, %dma_start3A_476] : memref<10000x128xf32, #tpu.memory_space<vmem_shared>> -> memref<10000x128xf32, #tpu.memory_space<vmem_shared>>
      %dma_start3A_478 = tpu.memref_slice %arg9[%dma_start3A_470] : memref<5x!tpu.dma_semaphore, #tpu.memory_space<semaphore_mem>> -> memref<1x!tpu.dma_semaphore, #tpu.memory_space<semaphore_mem>>
      %dma_start3A_479 = tpu.memref_squeeze %dma_start3A_478 : memref<1x!tpu.dma_semaphore, #tpu.memory_space<semaphore_mem>> -> memref<!tpu.dma_semaphore, #tpu.memory_space<semaphore_mem>>
      tpu.enqueue_indirect_dma source(%dma_start3A_477 : memref<10000x128xf32, #tpu.memory_space<vmem_shared>>) target(%dma_start3A_473 : memref<40x128xf32, #tpu.memory_space<vmem>>) offsets(%dma_start3A_474 : memref<40xi32, #tpu.memory_space<vmem>>) semaphore(%dma_start3A_479 : memref<!tpu.dma_semaphore, #tpu.memory_space<semaphore_mem>>)
      %dma_wait3A_480 = arith.constant 3 : i32
      %dma_wait3A_481 = arith.constant 120 : i32
      %dma_wait3A_482 = arith.constant 0 : i32
      %dma_wait3A_483 = tpu.memref_slice %arg6[%dma_wait3A_481, %dma_wait3A_482] : memref<200x128xf32, #tpu.memory_space<vmem>> -> memref<40x128xf32, #tpu.memory_space<vmem>>
      %dma_wait3A_484 = arith.constant 0 : i32
      %dma_wait3A_485 = arith.constant 0 : i32
      %dma_wait3A_486 = tpu.memref_slice %arg8[%dma_wait3A_484, %dma_wait3A_485] : memref<10000x128xf32, #tpu.memory_space<vmem_shared>> -> memref<40x128xf32, #tpu.memory_space<vmem_shared>>
      %dma_wait3A_487 = tpu.memref_slice %arg9[%dma_wait3A_480] : memref<5x!tpu.dma_semaphore, #tpu.memory_space<semaphore_mem>> -> memref<1x!tpu.dma_semaphore, #tpu.memory_space<semaphore_mem>>
      %dma_wait3A_488 = tpu.memref_squeeze %dma_wait3A_487 : memref<1x!tpu.dma_semaphore, #tpu.memory_space<semaphore_mem>> -> memref<!tpu.dma_semaphore, #tpu.memory_space<semaphore_mem>>
      %dma_wait3A_489 = arith.constant 120 : i32
      %dma_wait3A_490 = arith.constant 0 : i32
      %dma_wait3A_491 = tpu.memref_slice %arg6[%dma_wait3A_489, %dma_wait3A_490] : memref<200x128xf32, #tpu.memory_space<vmem>> -> memref<40x128xf32, #tpu.memory_space<vmem>>
      %dma_wait3A_492 = arith.constant 0 : i32
      %dma_wait3A_493 = arith.constant 0 : i32
      %dma_wait3A_494 = tpu.memref_slice %arg8[%dma_wait3A_492, %dma_wait3A_493] : memref<10000x128xf32, #tpu.memory_space<vmem_shared>> -> memref<40x128xf32, #tpu.memory_space<vmem_shared>>
      tpu.wait_dma2 semaphore(%dma_wait3A_488 : memref<!tpu.dma_semaphore, #tpu.memory_space<semaphore_mem>>) src(%dma_wait3A_494 : memref<40x128xf32, #tpu.memory_space<vmem_shared>>) dst(%dma_wait3A_491 : memref<40x128xf32, #tpu.memory_space<vmem>>)
      %add3A_495 = arith.constant 1 : i32
      %add3A_496 = arith.addi %add3A_387, %add3A_495 : i32
      %sub3A_497 = arith.constant 3 : i32
      %sub3A_498 = arith.subi %add3A_496, %sub3A_497 : i32
      %mul3A_499 = arith.constant 40 : i32
      %mul3A_500 = arith.muli %sub3A_498, %mul3A_499 : i32
      %add3A_501 = arith.addi %mul3A_2, %mul3A_500 : i32
      %dma_start3A_502 = arith.constant 3 : i32
      %dma_start3A_503 = arith.constant 120 : i32
      %dma_start3A_504 = arith.constant 0 : i32
      %dma_start3A_505 = tpu.memref_slice %arg6[%dma_start3A_503, %dma_start3A_504] : memref<200x128xf32, #tpu.memory_space<vmem>> -> memref<40x128xf32, #tpu.memory_space<vmem>>
      %dma_start3A_506 = arith.constant 0 : i32
      %dma_start3A_507 = tpu.memref_slice %arg4[%add3A_501, %dma_start3A_506] : memref<320000x128xf32, #tpu.memory_space<hbm>> -> memref<40x128xf32, #tpu.memory_space<hbm>>
      %dma_start3A_508 = tpu.memref_slice %arg10[%dma_start3A_502] : memref<5x!tpu.dma_semaphore, #tpu.memory_space<semaphore_mem>> -> memref<1x!tpu.dma_semaphore, #tpu.memory_space<semaphore_mem>>
      %dma_start3A_509 = tpu.memref_squeeze %dma_start3A_508 : memref<1x!tpu.dma_semaphore, #tpu.memory_space<semaphore_mem>> -> memref<!tpu.dma_semaphore, #tpu.memory_space<semaphore_mem>>
      %dma_start3A_510 = arith.constant 0 : i32
      %dma_start3A_511 = tpu.memref_slice %arg4[%add3A_501, %dma_start3A_510] : memref<320000x128xf32, #tpu.memory_space<hbm>> -> memref<40x128xf32, #tpu.memory_space<hbm>>
      %dma_start3A_512 = arith.constant 120 : i32
      %dma_start3A_513 = arith.constant 0 : i32
      %dma_start3A_514 = tpu.memref_slice %arg6[%dma_start3A_512, %dma_start3A_513] : memref<200x128xf32, #tpu.memory_space<vmem>> -> memref<40x128xf32, #tpu.memory_space<vmem>>
      tpu.enqueue_dma source(%dma_start3A_514 : memref<40x128xf32, #tpu.memory_space<vmem>>) target(%dma_start3A_511 : memref<40x128xf32, #tpu.memory_space<hbm>>) target_semaphore(%dma_start3A_509 : memref<!tpu.dma_semaphore, #tpu.memory_space<semaphore_mem>>)
      %dma_wait3A_515 = arith.constant 2 : i32
      %dma_wait3A_516 = arith.constant 80 : i32
      %dma_wait3A_517 = arith.constant 0 : i32
      %dma_wait3A_518 = tpu.memref_slice %arg6[%dma_wait3A_516, %dma_wait3A_517] : memref<200x128xf32, #tpu.memory_space<vmem>> -> memref<40x128xf32, #tpu.memory_space<vmem>>
      %dma_wait3A_519 = arith.constant 0 : i32
      %dma_wait3A_520 = arith.constant 0 : i32
      %dma_wait3A_521 = tpu.memref_slice %arg4[%dma_wait3A_519, %dma_wait3A_520] : memref<320000x128xf32, #tpu.memory_space<hbm>> -> memref<40x128xf32, #tpu.memory_space<hbm>>
      %dma_wait3A_522 = tpu.memref_slice %arg10[%dma_wait3A_515] : memref<5x!tpu.dma_semaphore, #tpu.memory_space<semaphore_mem>> -> memref<1x!tpu.dma_semaphore, #tpu.memory_space<semaphore_mem>>
      %dma_wait3A_523 = tpu.memref_squeeze %dma_wait3A_522 : memref<1x!tpu.dma_semaphore, #tpu.memory_space<semaphore_mem>> -> memref<!tpu.dma_semaphore, #tpu.memory_space<semaphore_mem>>
      %dma_wait3A_524 = arith.constant 0 : i32
      %dma_wait3A_525 = arith.constant 0 : i32
      %dma_wait3A_526 = tpu.memref_slice %arg4[%dma_wait3A_524, %dma_wait3A_525] : memref<320000x128xf32, #tpu.memory_space<hbm>> -> memref<40x128xf32, #tpu.memory_space<hbm>>
      %dma_wait3A_527 = arith.constant 80 : i32
      %dma_wait3A_528 = arith.constant 0 : i32
      %dma_wait3A_529 = tpu.memref_slice %arg6[%dma_wait3A_527, %dma_wait3A_528] : memref<200x128xf32, #tpu.memory_space<vmem>> -> memref<40x128xf32, #tpu.memory_space<vmem>>
      tpu.wait_dma2 semaphore(%dma_wait3A_523 : memref<!tpu.dma_semaphore, #tpu.memory_space<semaphore_mem>>) src(%dma_wait3A_529 : memref<40x128xf32, #tpu.memory_space<vmem>>) dst(%dma_wait3A_526 : memref<40x128xf32, #tpu.memory_space<hbm>>)
      %add3A_530 = arith.constant 2 : i32
      %add3A_531 = arith.addi %add3A_387, %add3A_530 : i32
      %mul3A_532 = arith.constant 40 : i32
      %mul3A_533 = arith.muli %add3A_531, %mul3A_532 : i32
      %dma_start3A_534 = arith.constant 2 : i32
      %dma_start3A_535 = arith.constant 80 : i32
      %dma_start3A_536 = arith.constant 0 : i32
      %dma_start3A_537 = tpu.memref_slice %arg6[%dma_start3A_535, %dma_start3A_536] : memref<200x128xf32, #tpu.memory_space<vmem>> -> memref<40x128xf32, #tpu.memory_space<vmem>>
      %dma_start3A_538 = tpu.memref_slice %arg5[%mul3A_533] : memref<10000xi32, #tpu.memory_space<vmem>> -> memref<40xi32, #tpu.memory_space<vmem>>
      %dma_start3A_539 = arith.constant 0 : i32
      %dma_start3A_540 = arith.constant 0 : i32
      %dma_start3A_541 = tpu.memref_slice %arg8[%dma_start3A_539, %dma_start3A_540] : memref<10000x128xf32, #tpu.memory_space<vmem_shared>> -> memref<10000x128xf32, #tpu.memory_space<vmem_shared>>
      %dma_start3A_542 = tpu.memref_slice %arg9[%dma_start3A_534] : memref<5x!tpu.dma_semaphore, #tpu.memory_space<semaphore_mem>> -> memref<1x!tpu.dma_semaphore, #tpu.memory_space<semaphore_mem>>
      %dma_start3A_543 = tpu.memref_squeeze %dma_start3A_542 : memref<1x!tpu.dma_semaphore, #tpu.memory_space<semaphore_mem>> -> memref<!tpu.dma_semaphore, #tpu.memory_space<semaphore_mem>>
      tpu.enqueue_indirect_dma source(%dma_start3A_541 : memref<10000x128xf32, #tpu.memory_space<vmem_shared>>) target(%dma_start3A_537 : memref<40x128xf32, #tpu.memory_space<vmem>>) offsets(%dma_start3A_538 : memref<40xi32, #tpu.memory_space<vmem>>) semaphore(%dma_start3A_543 : memref<!tpu.dma_semaphore, #tpu.memory_space<semaphore_mem>>)
      %dma_wait3A_544 = arith.constant 4 : i32
      %dma_wait3A_545 = arith.constant 160 : i32
      %dma_wait3A_546 = arith.constant 0 : i32
      %dma_wait3A_547 = tpu.memref_slice %arg6[%dma_wait3A_545, %dma_wait3A_546] : memref<200x128xf32, #tpu.memory_space<vmem>> -> memref<40x128xf32, #tpu.memory_space<vmem>>
      %dma_wait3A_548 = arith.constant 0 : i32
      %dma_wait3A_549 = arith.constant 0 : i32
      %dma_wait3A_550 = tpu.memref_slice %arg8[%dma_wait3A_548, %dma_wait3A_549] : memref<10000x128xf32, #tpu.memory_space<vmem_shared>> -> memref<40x128xf32, #tpu.memory_space<vmem_shared>>
      %dma_wait3A_551 = tpu.memref_slice %arg9[%dma_wait3A_544] : memref<5x!tpu.dma_semaphore, #tpu.memory_space<semaphore_mem>> -> memref<1x!tpu.dma_semaphore, #tpu.memory_space<semaphore_mem>>
      %dma_wait3A_552 = tpu.memref_squeeze %dma_wait3A_551 : memref<1x!tpu.dma_semaphore, #tpu.memory_space<semaphore_mem>> -> memref<!tpu.dma_semaphore, #tpu.memory_space<semaphore_mem>>
      %dma_wait3A_553 = arith.constant 160 : i32
      %dma_wait3A_554 = arith.constant 0 : i32
      %dma_wait3A_555 = tpu.memref_slice %arg6[%dma_wait3A_553, %dma_wait3A_554] : memref<200x128xf32, #tpu.memory_space<vmem>> -> memref<40x128xf32, #tpu.memory_space<vmem>>
      %dma_wait3A_556 = arith.constant 0 : i32
      %dma_wait3A_557 = arith.constant 0 : i32
      %dma_wait3A_558 = tpu.memref_slice %arg8[%dma_wait3A_556, %dma_wait3A_557] : memref<10000x128xf32, #tpu.memory_space<vmem_shared>> -> memref<40x128xf32, #tpu.memory_space<vmem_shared>>
      tpu.wait_dma2 semaphore(%dma_wait3A_552 : memref<!tpu.dma_semaphore, #tpu.memory_space<semaphore_mem>>) src(%dma_wait3A_558 : memref<40x128xf32, #tpu.memory_space<vmem_shared>>) dst(%dma_wait3A_555 : memref<40x128xf32, #tpu.memory_space<vmem>>)
      %add3A_559 = arith.constant 2 : i32
      %add3A_560 = arith.addi %add3A_387, %add3A_559 : i32
      %sub3A_561 = arith.constant 3 : i32
      %sub3A_562 = arith.subi %add3A_560, %sub3A_561 : i32
      %mul3A_563 = arith.constant 40 : i32
      %mul3A_564 = arith.muli %sub3A_562, %mul3A_563 : i32
      %add3A_565 = arith.addi %mul3A_2, %mul3A_564 : i32
      %dma_start3A_566 = arith.constant 4 : i32
      %dma_start3A_567 = arith.constant 160 : i32
      %dma_start3A_568 = arith.constant 0 : i32
      %dma_start3A_569 = tpu.memref_slice %arg6[%dma_start3A_567, %dma_start3A_568] : memref<200x128xf32, #tpu.memory_space<vmem>> -> memref<40x128xf32, #tpu.memory_space<vmem>>
      %dma_start3A_570 = arith.constant 0 : i32
      %dma_start3A_571 = tpu.memref_slice %arg4[%add3A_565, %dma_start3A_570] : memref<320000x128xf32, #tpu.memory_space<hbm>> -> memref<40x128xf32, #tpu.memory_space<hbm>>
      %dma_start3A_572 = tpu.memref_slice %arg10[%dma_start3A_566] : memref<5x!tpu.dma_semaphore, #tpu.memory_space<semaphore_mem>> -> memref<1x!tpu.dma_semaphore, #tpu.memory_space<semaphore_mem>>
      %dma_start3A_573 = tpu.memref_squeeze %dma_start3A_572 : memref<1x!tpu.dma_semaphore, #tpu.memory_space<semaphore_mem>> -> memref<!tpu.dma_semaphore, #tpu.memory_space<semaphore_mem>>
      %dma_start3A_574 = arith.constant 0 : i32
      %dma_start3A_575 = tpu.memref_slice %arg4[%add3A_565, %dma_start3A_574] : memref<320000x128xf32, #tpu.memory_space<hbm>> -> memref<40x128xf32, #tpu.memory_space<hbm>>
      %dma_start3A_576 = arith.constant 160 : i32
      %dma_start3A_577 = arith.constant 0 : i32
      %dma_start3A_578 = tpu.memref_slice %arg6[%dma_start3A_576, %dma_start3A_577] : memref<200x128xf32, #tpu.memory_space<vmem>> -> memref<40x128xf32, #tpu.memory_space<vmem>>
      tpu.enqueue_dma source(%dma_start3A_578 : memref<40x128xf32, #tpu.memory_space<vmem>>) target(%dma_start3A_575 : memref<40x128xf32, #tpu.memory_space<hbm>>) target_semaphore(%dma_start3A_573 : memref<!tpu.dma_semaphore, #tpu.memory_space<semaphore_mem>>)
      %dma_wait3A_579 = arith.constant 3 : i32
      %dma_wait3A_580 = arith.constant 120 : i32
      %dma_wait3A_581 = arith.constant 0 : i32
      %dma_wait3A_582 = tpu.memref_slice %arg6[%dma_wait3A_580, %dma_wait3A_581] : memref<200x128xf32, #tpu.memory_space<vmem>> -> memref<40x128xf32, #tpu.memory_space<vmem>>
      %dma_wait3A_583 = arith.constant 0 : i32
      %dma_wait3A_584 = arith.constant 0 : i32
      %dma_wait3A_585 = tpu.memref_slice %arg4[%dma_wait3A_583, %dma_wait3A_584] : memref<320000x128xf32, #tpu.memory_space<hbm>> -> memref<40x128xf32, #tpu.memory_space<hbm>>
      %dma_wait3A_586 = tpu.memref_slice %arg10[%dma_wait3A_579] : memref<5x!tpu.dma_semaphore, #tpu.memory_space<semaphore_mem>> -> memref<1x!tpu.dma_semaphore, #tpu.memory_space<semaphore_mem>>
      %dma_wait3A_587 = tpu.memref_squeeze %dma_wait3A_586 : memref<1x!tpu.dma_semaphore, #tpu.memory_space<semaphore_mem>> -> memref<!tpu.dma_semaphore, #tpu.memory_space<semaphore_mem>>
      %dma_wait3A_588 = arith.constant 0 : i32
      %dma_wait3A_589 = arith.constant 0 : i32
      %dma_wait3A_590 = tpu.memref_slice %arg4[%dma_wait3A_588, %dma_wait3A_589] : memref<320000x128xf32, #tpu.memory_space<hbm>> -> memref<40x128xf32, #tpu.memory_space<hbm>>
      %dma_wait3A_591 = arith.constant 120 : i32
      %dma_wait3A_592 = arith.constant 0 : i32
      %dma_wait3A_593 = tpu.memref_slice %arg6[%dma_wait3A_591, %dma_wait3A_592] : memref<200x128xf32, #tpu.memory_space<vmem>> -> memref<40x128xf32, #tpu.memory_space<vmem>>
      tpu.wait_dma2 semaphore(%dma_wait3A_587 : memref<!tpu.dma_semaphore, #tpu.memory_space<semaphore_mem>>) src(%dma_wait3A_593 : memref<40x128xf32, #tpu.memory_space<vmem>>) dst(%dma_wait3A_590 : memref<40x128xf32, #tpu.memory_space<hbm>>)
      %add3A_594 = arith.constant 3 : i32
      %add3A_595 = arith.addi %add3A_387, %add3A_594 : i32
      %mul3A_596 = arith.constant 40 : i32
      %mul3A_597 = arith.muli %add3A_595, %mul3A_596 : i32
      %dma_start3A_598 = arith.constant 3 : i32
      %dma_start3A_599 = arith.constant 120 : i32
      %dma_start3A_600 = arith.constant 0 : i32
      %dma_start3A_601 = tpu.memref_slice %arg6[%dma_start3A_599, %dma_start3A_600] : memref<200x128xf32, #tpu.memory_space<vmem>> -> memref<40x128xf32, #tpu.memory_space<vmem>>
      %dma_start3A_602 = tpu.memref_slice %arg5[%mul3A_597] : memref<10000xi32, #tpu.memory_space<vmem>> -> memref<40xi32, #tpu.memory_space<vmem>>
      %dma_start3A_603 = arith.constant 0 : i32
      %dma_start3A_604 = arith.constant 0 : i32
      %dma_start3A_605 = tpu.memref_slice %arg8[%dma_start3A_603, %dma_start3A_604] : memref<10000x128xf32, #tpu.memory_space<vmem_shared>> -> memref<10000x128xf32, #tpu.memory_space<vmem_shared>>
      %dma_start3A_606 = tpu.memref_slice %arg9[%dma_start3A_598] : memref<5x!tpu.dma_semaphore, #tpu.memory_space<semaphore_mem>> -> memref<1x!tpu.dma_semaphore, #tpu.memory_space<semaphore_mem>>
      %dma_start3A_607 = tpu.memref_squeeze %dma_start3A_606 : memref<1x!tpu.dma_semaphore, #tpu.memory_space<semaphore_mem>> -> memref<!tpu.dma_semaphore, #tpu.memory_space<semaphore_mem>>
      tpu.enqueue_indirect_dma source(%dma_start3A_605 : memref<10000x128xf32, #tpu.memory_space<vmem_shared>>) target(%dma_start3A_601 : memref<40x128xf32, #tpu.memory_space<vmem>>) offsets(%dma_start3A_602 : memref<40xi32, #tpu.memory_space<vmem>>) semaphore(%dma_start3A_607 : memref<!tpu.dma_semaphore, #tpu.memory_space<semaphore_mem>>)
      %dma_wait3A_608 = arith.constant 0 : i32
      %dma_wait3A_609 = arith.constant 0 : i32
      %dma_wait3A_610 = arith.constant 0 : i32
      %dma_wait3A_611 = tpu.memref_slice %arg6[%dma_wait3A_609, %dma_wait3A_610] : memref<200x128xf32, #tpu.memory_space<vmem>> -> memref<40x128xf32, #tpu.memory_space<vmem>>
      %dma_wait3A_612 = arith.constant 0 : i32
      %dma_wait3A_613 = arith.constant 0 : i32
      %dma_wait3A_614 = tpu.memref_slice %arg8[%dma_wait3A_612, %dma_wait3A_613] : memref<10000x128xf32, #tpu.memory_space<vmem_shared>> -> memref<40x128xf32, #tpu.memory_space<vmem_shared>>
      %dma_wait3A_615 = tpu.memref_slice %arg9[%dma_wait3A_608] : memref<5x!tpu.dma_semaphore, #tpu.memory_space<semaphore_mem>> -> memref<1x!tpu.dma_semaphore, #tpu.memory_space<semaphore_mem>>
      %dma_wait3A_616 = tpu.memref_squeeze %dma_wait3A_615 : memref<1x!tpu.dma_semaphore, #tpu.memory_space<semaphore_mem>> -> memref<!tpu.dma_semaphore, #tpu.memory_space<semaphore_mem>>
      %dma_wait3A_617 = arith.constant 0 : i32
      %dma_wait3A_618 = arith.constant 0 : i32
      %dma_wait3A_619 = tpu.memref_slice %arg6[%dma_wait3A_617, %dma_wait3A_618] : memref<200x128xf32, #tpu.memory_space<vmem>> -> memref<40x128xf32, #tpu.memory_space<vmem>>
      %dma_wait3A_620 = arith.constant 0 : i32
      %dma_wait3A_621 = arith.constant 0 : i32
      %dma_wait3A_622 = tpu.memref_slice %arg8[%dma_wait3A_620, %dma_wait3A_621] : memref<10000x128xf32, #tpu.memory_space<vmem_shared>> -> memref<40x128xf32, #tpu.memory_space<vmem_shared>>
      tpu.wait_dma2 semaphore(%dma_wait3A_616 : memref<!tpu.dma_semaphore, #tpu.memory_space<semaphore_mem>>) src(%dma_wait3A_622 : memref<40x128xf32, #tpu.memory_space<vmem_shared>>) dst(%dma_wait3A_619 : memref<40x128xf32, #tpu.memory_space<vmem>>)
      %add3A_623 = arith.constant 3 : i32
      %add3A_624 = arith.addi %add3A_387, %add3A_623 : i32
      %sub3A_625 = arith.constant 3 : i32
      %sub3A_626 = arith.subi %add3A_624, %sub3A_625 : i32
      %mul3A_627 = arith.constant 40 : i32
      %mul3A_628 = arith.muli %sub3A_626, %mul3A_627 : i32
      %add3A_629 = arith.addi %mul3A_2, %mul3A_628 : i32
      %dma_start3A_630 = arith.constant 0 : i32
      %dma_start3A_631 = arith.constant 0 : i32
      %dma_start3A_632 = arith.constant 0 : i32
      %dma_start3A_633 = tpu.memref_slice %arg6[%dma_start3A_631, %dma_start3A_632] : memref<200x128xf32, #tpu.memory_space<vmem>> -> memref<40x128xf32, #tpu.memory_space<vmem>>
      %dma_start3A_634 = arith.constant 0 : i32
      %dma_start3A_635 = tpu.memref_slice %arg4[%add3A_629, %dma_start3A_634] : memref<320000x128xf32, #tpu.memory_space<hbm>> -> memref<40x128xf32, #tpu.memory_space<hbm>>
      %dma_start3A_636 = tpu.memref_slice %arg10[%dma_start3A_630] : memref<5x!tpu.dma_semaphore, #tpu.memory_space<semaphore_mem>> -> memref<1x!tpu.dma_semaphore, #tpu.memory_space<semaphore_mem>>
      %dma_start3A_637 = tpu.memref_squeeze %dma_start3A_636 : memref<1x!tpu.dma_semaphore, #tpu.memory_space<semaphore_mem>> -> memref<!tpu.dma_semaphore, #tpu.memory_space<semaphore_mem>>
      %dma_start3A_638 = arith.constant 0 : i32
      %dma_start3A_639 = tpu.memref_slice %arg4[%add3A_629, %dma_start3A_638] : memref<320000x128xf32, #tpu.memory_space<hbm>> -> memref<40x128xf32, #tpu.memory_space<hbm>>
      %dma_start3A_640 = arith.constant 0 : i32
      %dma_start3A_641 = arith.constant 0 : i32
      %dma_start3A_642 = tpu.memref_slice %arg6[%dma_start3A_640, %dma_start3A_641] : memref<200x128xf32, #tpu.memory_space<vmem>> -> memref<40x128xf32, #tpu.memory_space<vmem>>
      tpu.enqueue_dma source(%dma_start3A_642 : memref<40x128xf32, #tpu.memory_space<vmem>>) target(%dma_start3A_639 : memref<40x128xf32, #tpu.memory_space<hbm>>) target_semaphore(%dma_start3A_637 : memref<!tpu.dma_semaphore, #tpu.memory_space<semaphore_mem>>)
      %dma_wait3A_643 = arith.constant 4 : i32
      %dma_wait3A_644 = arith.constant 160 : i32
      %dma_wait3A_645 = arith.constant 0 : i32
      %dma_wait3A_646 = tpu.memref_slice %arg6[%dma_wait3A_644, %dma_wait3A_645] : memref<200x128xf32, #tpu.memory_space<vmem>> -> memref<40x128xf32, #tpu.memory_space<vmem>>
      %dma_wait3A_647 = arith.constant 0 : i32
      %dma_wait3A_648 = arith.constant 0 : i32
      %dma_wait3A_649 = tpu.memref_slice %arg4[%dma_wait3A_647, %dma_wait3A_648] : memref<320000x128xf32, #tpu.memory_space<hbm>> -> memref<40x128xf32, #tpu.memory_space<hbm>>
      %dma_wait3A_650 = tpu.memref_slice %arg10[%dma_wait3A_643] : memref<5x!tpu.dma_semaphore, #tpu.memory_space<semaphore_mem>> -> memref<1x!tpu.dma_semaphore, #tpu.memory_space<semaphore_mem>>
      %dma_wait3A_651 = tpu.memref_squeeze %dma_wait3A_650 : memref<1x!tpu.dma_semaphore, #tpu.memory_space<semaphore_mem>> -> memref<!tpu.dma_semaphore, #tpu.memory_space<semaphore_mem>>
      %dma_wait3A_652 = arith.constant 0 : i32
      %dma_wait3A_653 = arith.constant 0 : i32
      %dma_wait3A_654 = tpu.memref_slice %arg4[%dma_wait3A_652, %dma_wait3A_653] : memref<320000x128xf32, #tpu.memory_space<hbm>> -> memref<40x128xf32, #tpu.memory_space<hbm>>
      %dma_wait3A_655 = arith.constant 160 : i32
      %dma_wait3A_656 = arith.constant 0 : i32
      %dma_wait3A_657 = tpu.memref_slice %arg6[%dma_wait3A_655, %dma_wait3A_656] : memref<200x128xf32, #tpu.memory_space<vmem>> -> memref<40x128xf32, #tpu.memory_space<vmem>>
      tpu.wait_dma2 semaphore(%dma_wait3A_651 : memref<!tpu.dma_semaphore, #tpu.memory_space<semaphore_mem>>) src(%dma_wait3A_657 : memref<40x128xf32, #tpu.memory_space<vmem>>) dst(%dma_wait3A_654 : memref<40x128xf32, #tpu.memory_space<hbm>>)
      %add3A_658 = arith.constant 4 : i32
      %add3A_659 = arith.addi %add3A_387, %add3A_658 : i32
      %mul3A_660 = arith.constant 40 : i32
      %mul3A_661 = arith.muli %add3A_659, %mul3A_660 : i32
      %dma_start3A_662 = arith.constant 4 : i32
      %dma_start3A_663 = arith.constant 160 : i32
      %dma_start3A_664 = arith.constant 0 : i32
      %dma_start3A_665 = tpu.memref_slice %arg6[%dma_start3A_663, %dma_start3A_664] : memref<200x128xf32, #tpu.memory_space<vmem>> -> memref<40x128xf32, #tpu.memory_space<vmem>>
      %dma_start3A_666 = tpu.memref_slice %arg5[%mul3A_661] : memref<10000xi32, #tpu.memory_space<vmem>> -> memref<40xi32, #tpu.memory_space<vmem>>
      %dma_start3A_667 = arith.constant 0 : i32
      %dma_start3A_668 = arith.constant 0 : i32
      %dma_start3A_669 = tpu.memref_slice %arg8[%dma_start3A_667, %dma_start3A_668] : memref<10000x128xf32, #tpu.memory_space<vmem_shared>> -> memref<10000x128xf32, #tpu.memory_space<vmem_shared>>
      %dma_start3A_670 = tpu.memref_slice %arg9[%dma_start3A_662] : memref<5x!tpu.dma_semaphore, #tpu.memory_space<semaphore_mem>> -> memref<1x!tpu.dma_semaphore, #tpu.memory_space<semaphore_mem>>
      %dma_start3A_671 = tpu.memref_squeeze %dma_start3A_670 : memref<1x!tpu.dma_semaphore, #tpu.memory_space<semaphore_mem>> -> memref<!tpu.dma_semaphore, #tpu.memory_space<semaphore_mem>>
      tpu.enqueue_indirect_dma source(%dma_start3A_669 : memref<10000x128xf32, #tpu.memory_space<vmem_shared>>) target(%dma_start3A_665 : memref<40x128xf32, #tpu.memory_space<vmem>>) offsets(%dma_start3A_666 : memref<40xi32, #tpu.memory_space<vmem>>) semaphore(%dma_start3A_671 : memref<!tpu.dma_semaphore, #tpu.memory_space<semaphore_mem>>)
      %dma_wait3A_672 = arith.constant 1 : i32
      %dma_wait3A_673 = arith.constant 40 : i32
      %dma_wait3A_674 = arith.constant 0 : i32
      %dma_wait3A_675 = tpu.memref_slice %arg6[%dma_wait3A_673, %dma_wait3A_674] : memref<200x128xf32, #tpu.memory_space<vmem>> -> memref<40x128xf32, #tpu.memory_space<vmem>>
      %dma_wait3A_676 = arith.constant 0 : i32
      %dma_wait3A_677 = arith.constant 0 : i32
      %dma_wait3A_678 = tpu.memref_slice %arg8[%dma_wait3A_676, %dma_wait3A_677] : memref<10000x128xf32, #tpu.memory_space<vmem_shared>> -> memref<40x128xf32, #tpu.memory_space<vmem_shared>>
      %dma_wait3A_679 = tpu.memref_slice %arg9[%dma_wait3A_672] : memref<5x!tpu.dma_semaphore, #tpu.memory_space<semaphore_mem>> -> memref<1x!tpu.dma_semaphore, #tpu.memory_space<semaphore_mem>>
      %dma_wait3A_680 = tpu.memref_squeeze %dma_wait3A_679 : memref<1x!tpu.dma_semaphore, #tpu.memory_space<semaphore_mem>> -> memref<!tpu.dma_semaphore, #tpu.memory_space<semaphore_mem>>
      %dma_wait3A_681 = arith.constant 40 : i32
      %dma_wait3A_682 = arith.constant 0 : i32
      %dma_wait3A_683 = tpu.memref_slice %arg6[%dma_wait3A_681, %dma_wait3A_682] : memref<200x128xf32, #tpu.memory_space<vmem>> -> memref<40x128xf32, #tpu.memory_space<vmem>>
      %dma_wait3A_684 = arith.constant 0 : i32
      %dma_wait3A_685 = arith.constant 0 : i32
      %dma_wait3A_686 = tpu.memref_slice %arg8[%dma_wait3A_684, %dma_wait3A_685] : memref<10000x128xf32, #tpu.memory_space<vmem_shared>> -> memref<40x128xf32, #tpu.memory_space<vmem_shared>>
      tpu.wait_dma2 semaphore(%dma_wait3A_680 : memref<!tpu.dma_semaphore, #tpu.memory_space<semaphore_mem>>) src(%dma_wait3A_686 : memref<40x128xf32, #tpu.memory_space<vmem_shared>>) dst(%dma_wait3A_683 : memref<40x128xf32, #tpu.memory_space<vmem>>)
      %add3A_687 = arith.constant 4 : i32
      %add3A_688 = arith.addi %add3A_387, %add3A_687 : i32
      %sub3A_689 = arith.constant 3 : i32
      %sub3A_690 = arith.subi %add3A_688, %sub3A_689 : i32
      %mul3A_691 = arith.constant 40 : i32
      %mul3A_692 = arith.muli %sub3A_690, %mul3A_691 : i32
      %add3A_693 = arith.addi %mul3A_2, %mul3A_692 : i32
      %dma_start3A_694 = arith.constant 1 : i32
      %dma_start3A_695 = arith.constant 40 : i32
      %dma_start3A_696 = arith.constant 0 : i32
      %dma_start3A_697 = tpu.memref_slice %arg6[%dma_start3A_695, %dma_start3A_696] : memref<200x128xf32, #tpu.memory_space<vmem>> -> memref<40x128xf32, #tpu.memory_space<vmem>>
      %dma_start3A_698 = arith.constant 0 : i32
      %dma_start3A_699 = tpu.memref_slice %arg4[%add3A_693, %dma_start3A_698] : memref<320000x128xf32, #tpu.memory_space<hbm>> -> memref<40x128xf32, #tpu.memory_space<hbm>>
      %dma_start3A_700 = tpu.memref_slice %arg10[%dma_start3A_694] : memref<5x!tpu.dma_semaphore, #tpu.memory_space<semaphore_mem>> -> memref<1x!tpu.dma_semaphore, #tpu.memory_space<semaphore_mem>>
      %dma_start3A_701 = tpu.memref_squeeze %dma_start3A_700 : memref<1x!tpu.dma_semaphore, #tpu.memory_space<semaphore_mem>> -> memref<!tpu.dma_semaphore, #tpu.memory_space<semaphore_mem>>
      %dma_start3A_702 = arith.constant 0 : i32
      %dma_start3A_703 = tpu.memref_slice %arg4[%add3A_693, %dma_start3A_702] : memref<320000x128xf32, #tpu.memory_space<hbm>> -> memref<40x128xf32, #tpu.memory_space<hbm>>
      %dma_start3A_704 = arith.constant 40 : i32
      %dma_start3A_705 = arith.constant 0 : i32
      %dma_start3A_706 = tpu.memref_slice %arg6[%dma_start3A_704, %dma_start3A_705] : memref<200x128xf32, #tpu.memory_space<vmem>> -> memref<40x128xf32, #tpu.memory_space<vmem>>
      tpu.enqueue_dma source(%dma_start3A_706 : memref<40x128xf32, #tpu.memory_space<vmem>>) target(%dma_start3A_703 : memref<40x128xf32, #tpu.memory_space<hbm>>) target_semaphore(%dma_start3A_701 : memref<!tpu.dma_semaphore, #tpu.memory_space<semaphore_mem>>)
    }
    %scan3A_217 = arith.constant 49 : i32
    %dma_wait3A_218 = arith.constant 2 : i32
    %dma_wait3A_219 = arith.constant 80 : i32
    %dma_wait3A_220 = arith.constant 0 : i32
    %dma_wait3A_221 = tpu.memref_slice %arg6[%dma_wait3A_219, %dma_wait3A_220] : memref<200x128xf32, #tpu.memory_space<vmem>> -> memref<40x128xf32, #tpu.memory_space<vmem>>
    %dma_wait3A_222 = arith.constant 0 : i32
    %dma_wait3A_223 = arith.constant 0 : i32
    %dma_wait3A_224 = tpu.memref_slice %arg8[%dma_wait3A_222, %dma_wait3A_223] : memref<10000x128xf32, #tpu.memory_space<vmem_shared>> -> memref<40x128xf32, #tpu.memory_space<vmem_shared>>
    %dma_wait3A_225 = tpu.memref_slice %arg9[%dma_wait3A_218] : memref<5x!tpu.dma_semaphore, #tpu.memory_space<semaphore_mem>> -> memref<1x!tpu.dma_semaphore, #tpu.memory_space<semaphore_mem>>
    %dma_wait3A_226 = tpu.memref_squeeze %dma_wait3A_225 : memref<1x!tpu.dma_semaphore, #tpu.memory_space<semaphore_mem>> -> memref<!tpu.dma_semaphore, #tpu.memory_space<semaphore_mem>>
    %dma_wait3A_227 = arith.constant 80 : i32
    %dma_wait3A_228 = arith.constant 0 : i32
    %dma_wait3A_229 = tpu.memref_slice %arg6[%dma_wait3A_227, %dma_wait3A_228] : memref<200x128xf32, #tpu.memory_space<vmem>> -> memref<40x128xf32, #tpu.memory_space<vmem>>
    %dma_wait3A_230 = arith.constant 0 : i32
    %dma_wait3A_231 = arith.constant 0 : i32
    %dma_wait3A_232 = tpu.memref_slice %arg8[%dma_wait3A_230, %dma_wait3A_231] : memref<10000x128xf32, #tpu.memory_space<vmem_shared>> -> memref<40x128xf32, #tpu.memory_space<vmem_shared>>
    tpu.wait_dma2 semaphore(%dma_wait3A_226 : memref<!tpu.dma_semaphore, #tpu.memory_space<semaphore_mem>>) src(%dma_wait3A_232 : memref<40x128xf32, #tpu.memory_space<vmem_shared>>) dst(%dma_wait3A_229 : memref<40x128xf32, #tpu.memory_space<vmem>>)
    %add3A_233 = arith.constant 9880 : i32
    %add3A_234 = arith.addi %mul3A_2, %add3A_233 : i32
    %dma_start3A_235 = arith.constant 2 : i32
    %dma_start3A_236 = arith.constant 80 : i32
    %dma_start3A_237 = arith.constant 0 : i32
    %dma_start3A_238 = tpu.memref_slice %arg6[%dma_start3A_236, %dma_start3A_237] : memref<200x128xf32, #tpu.memory_space<vmem>> -> memref<40x128xf32, #tpu.memory_space<vmem>>
    %dma_start3A_239 = arith.constant 0 : i32
    %dma_start3A_240 = tpu.memref_slice %arg4[%add3A_234, %dma_start3A_239] : memref<320000x128xf32, #tpu.memory_space<hbm>> -> memref<40x128xf32, #tpu.memory_space<hbm>>
    %dma_start3A_241 = tpu.memref_slice %arg10[%dma_start3A_235] : memref<5x!tpu.dma_semaphore, #tpu.memory_space<semaphore_mem>> -> memref<1x!tpu.dma_semaphore, #tpu.memory_space<semaphore_mem>>
    %dma_start3A_242 = tpu.memref_squeeze %dma_start3A_241 : memref<1x!tpu.dma_semaphore, #tpu.memory_space<semaphore_mem>> -> memref<!tpu.dma_semaphore, #tpu.memory_space<semaphore_mem>>
    %dma_start3A_243 = arith.constant 0 : i32
    %dma_start3A_244 = tpu.memref_slice %arg4[%add3A_234, %dma_start3A_243] : memref<320000x128xf32, #tpu.memory_space<hbm>> -> memref<40x128xf32, #tpu.memory_space<hbm>>
    %dma_start3A_245 = arith.constant 80 : i32
    %dma_start3A_246 = arith.constant 0 : i32
    %dma_start3A_247 = tpu.memref_slice %arg6[%dma_start3A_245, %dma_start3A_246] : memref<200x128xf32, #tpu.memory_space<vmem>> -> memref<40x128xf32, #tpu.memory_space<vmem>>
    tpu.enqueue_dma source(%dma_start3A_247 : memref<40x128xf32, #tpu.memory_space<vmem>>) target(%dma_start3A_244 : memref<40x128xf32, #tpu.memory_space<hbm>>) target_semaphore(%dma_start3A_242 : memref<!tpu.dma_semaphore, #tpu.memory_space<semaphore_mem>>)
    %dma_wait3A_248 = arith.constant 3 : i32
    %dma_wait3A_249 = arith.constant 120 : i32
    %dma_wait3A_250 = arith.constant 0 : i32
    %dma_wait3A_251 = tpu.memref_slice %arg6[%dma_wait3A_249, %dma_wait3A_250] : memref<200x128xf32, #tpu.memory_space<vmem>> -> memref<40x128xf32, #tpu.memory_space<vmem>>
    %dma_wait3A_252 = arith.constant 0 : i32
    %dma_wait3A_253 = arith.constant 0 : i32
    %dma_wait3A_254 = tpu.memref_slice %arg8[%dma_wait3A_252, %dma_wait3A_253] : memref<10000x128xf32, #tpu.memory_space<vmem_shared>> -> memref<40x128xf32, #tpu.memory_space<vmem_shared>>
    %dma_wait3A_255 = tpu.memref_slice %arg9[%dma_wait3A_248] : memref<5x!tpu.dma_semaphore, #tpu.memory_space<semaphore_mem>> -> memref<1x!tpu.dma_semaphore, #tpu.memory_space<semaphore_mem>>
    %dma_wait3A_256 = tpu.memref_squeeze %dma_wait3A_255 : memref<1x!tpu.dma_semaphore, #tpu.memory_space<semaphore_mem>> -> memref<!tpu.dma_semaphore, #tpu.memory_space<semaphore_mem>>
    %dma_wait3A_257 = arith.constant 120 : i32
    %dma_wait3A_258 = arith.constant 0 : i32
    %dma_wait3A_259 = tpu.memref_slice %arg6[%dma_wait3A_257, %dma_wait3A_258] : memref<200x128xf32, #tpu.memory_space<vmem>> -> memref<40x128xf32, #tpu.memory_space<vmem>>
    %dma_wait3A_260 = arith.constant 0 : i32
    %dma_wait3A_261 = arith.constant 0 : i32
    %dma_wait3A_262 = tpu.memref_slice %arg8[%dma_wait3A_260, %dma_wait3A_261] : memref<10000x128xf32, #tpu.memory_space<vmem_shared>> -> memref<40x128xf32, #tpu.memory_space<vmem_shared>>
    tpu.wait_dma2 semaphore(%dma_wait3A_256 : memref<!tpu.dma_semaphore, #tpu.memory_space<semaphore_mem>>) src(%dma_wait3A_262 : memref<40x128xf32, #tpu.memory_space<vmem_shared>>) dst(%dma_wait3A_259 : memref<40x128xf32, #tpu.memory_space<vmem>>)
    %add3A_263 = arith.constant 9920 : i32
    %add3A_264 = arith.addi %mul3A_2, %add3A_263 : i32
    %dma_start3A_265 = arith.constant 3 : i32
    %dma_start3A_266 = arith.constant 120 : i32
    %dma_start3A_267 = arith.constant 0 : i32
    %dma_start3A_268 = tpu.memref_slice %arg6[%dma_start3A_266, %dma_start3A_267] : memref<200x128xf32, #tpu.memory_space<vmem>> -> memref<40x128xf32, #tpu.memory_space<vmem>>
    %dma_start3A_269 = arith.constant 0 : i32
    %dma_start3A_270 = tpu.memref_slice %arg4[%add3A_264, %dma_start3A_269] : memref<320000x128xf32, #tpu.memory_space<hbm>> -> memref<40x128xf32, #tpu.memory_space<hbm>>
    %dma_start3A_271 = tpu.memref_slice %arg10[%dma_start3A_265] : memref<5x!tpu.dma_semaphore, #tpu.memory_space<semaphore_mem>> -> memref<1x!tpu.dma_semaphore, #tpu.memory_space<semaphore_mem>>
    %dma_start3A_272 = tpu.memref_squeeze %dma_start3A_271 : memref<1x!tpu.dma_semaphore, #tpu.memory_space<semaphore_mem>> -> memref<!tpu.dma_semaphore, #tpu.memory_space<semaphore_mem>>
    %dma_start3A_273 = arith.constant 0 : i32
    %dma_start3A_274 = tpu.memref_slice %arg4[%add3A_264, %dma_start3A_273] : memref<320000x128xf32, #tpu.memory_space<hbm>> -> memref<40x128xf32, #tpu.memory_space<hbm>>
    %dma_start3A_275 = arith.constant 120 : i32
    %dma_start3A_276 = arith.constant 0 : i32
    %dma_start3A_277 = tpu.memref_slice %arg6[%dma_start3A_275, %dma_start3A_276] : memref<200x128xf32, #tpu.memory_space<vmem>> -> memref<40x128xf32, #tpu.memory_space<vmem>>
    tpu.enqueue_dma source(%dma_start3A_277 : memref<40x128xf32, #tpu.memory_space<vmem>>) target(%dma_start3A_274 : memref<40x128xf32, #tpu.memory_space<hbm>>) target_semaphore(%dma_start3A_272 : memref<!tpu.dma_semaphore, #tpu.memory_space<semaphore_mem>>)
    %dma_wait3A_278 = arith.constant 4 : i32
    %dma_wait3A_279 = arith.constant 160 : i32
    %dma_wait3A_280 = arith.constant 0 : i32
    %dma_wait3A_281 = tpu.memref_slice %arg6[%dma_wait3A_279, %dma_wait3A_280] : memref<200x128xf32, #tpu.memory_space<vmem>> -> memref<40x128xf32, #tpu.memory_space<vmem>>
    %dma_wait3A_282 = arith.constant 0 : i32
    %dma_wait3A_283 = arith.constant 0 : i32
    %dma_wait3A_284 = tpu.memref_slice %arg8[%dma_wait3A_282, %dma_wait3A_283] : memref<10000x128xf32, #tpu.memory_space<vmem_shared>> -> memref<40x128xf32, #tpu.memory_space<vmem_shared>>
    %dma_wait3A_285 = tpu.memref_slice %arg9[%dma_wait3A_278] : memref<5x!tpu.dma_semaphore, #tpu.memory_space<semaphore_mem>> -> memref<1x!tpu.dma_semaphore, #tpu.memory_space<semaphore_mem>>
    %dma_wait3A_286 = tpu.memref_squeeze %dma_wait3A_285 : memref<1x!tpu.dma_semaphore, #tpu.memory_space<semaphore_mem>> -> memref<!tpu.dma_semaphore, #tpu.memory_space<semaphore_mem>>
    %dma_wait3A_287 = arith.constant 160 : i32
    %dma_wait3A_288 = arith.constant 0 : i32
    %dma_wait3A_289 = tpu.memref_slice %arg6[%dma_wait3A_287, %dma_wait3A_288] : memref<200x128xf32, #tpu.memory_space<vmem>> -> memref<40x128xf32, #tpu.memory_space<vmem>>
    %dma_wait3A_290 = arith.constant 0 : i32
    %dma_wait3A_291 = arith.constant 0 : i32
    %dma_wait3A_292 = tpu.memref_slice %arg8[%dma_wait3A_290, %dma_wait3A_291] : memref<10000x128xf32, #tpu.memory_space<vmem_shared>> -> memref<40x128xf32, #tpu.memory_space<vmem_shared>>
    tpu.wait_dma2 semaphore(%dma_wait3A_286 : memref<!tpu.dma_semaphore, #tpu.memory_space<semaphore_mem>>) src(%dma_wait3A_292 : memref<40x128xf32, #tpu.memory_space<vmem_shared>>) dst(%dma_wait3A_289 : memref<40x128xf32, #tpu.memory_space<vmem>>)
    %add3A_293 = arith.constant 9960 : i32
    %add3A_294 = arith.addi %mul3A_2, %add3A_293 : i32
    %dma_start3A_295 = arith.constant 4 : i32
    %dma_start3A_296 = arith.constant 160 : i32
    %dma_start3A_297 = arith.constant 0 : i32
    %dma_start3A_298 = tpu.memref_slice %arg6[%dma_start3A_296, %dma_start3A_297] : memref<200x128xf32, #tpu.memory_space<vmem>> -> memref<40x128xf32, #tpu.memory_space<vmem>>
    %dma_start3A_299 = arith.constant 0 : i32
    %dma_start3A_300 = tpu.memref_slice %arg4[%add3A_294, %dma_start3A_299] : memref<320000x128xf32, #tpu.memory_space<hbm>> -> memref<40x128xf32, #tpu.memory_space<hbm>>
    %dma_start3A_301 = tpu.memref_slice %arg10[%dma_start3A_295] : memref<5x!tpu.dma_semaphore, #tpu.memory_space<semaphore_mem>> -> memref<1x!tpu.dma_semaphore, #tpu.memory_space<semaphore_mem>>
    %dma_start3A_302 = tpu.memref_squeeze %dma_start3A_301 : memref<1x!tpu.dma_semaphore, #tpu.memory_space<semaphore_mem>> -> memref<!tpu.dma_semaphore, #tpu.memory_space<semaphore_mem>>
    %dma_start3A_303 = arith.constant 0 : i32
    %dma_start3A_304 = tpu.memref_slice %arg4[%add3A_294, %dma_start3A_303] : memref<320000x128xf32, #tpu.memory_space<hbm>> -> memref<40x128xf32, #tpu.memory_space<hbm>>
    %dma_start3A_305 = arith.constant 160 : i32
    %dma_start3A_306 = arith.constant 0 : i32
    %dma_start3A_307 = tpu.memref_slice %arg6[%dma_start3A_305, %dma_start3A_306] : memref<200x128xf32, #tpu.memory_space<vmem>> -> memref<40x128xf32, #tpu.memory_space<vmem>>
    tpu.enqueue_dma source(%dma_start3A_307 : memref<40x128xf32, #tpu.memory_space<vmem>>) target(%dma_start3A_304 : memref<40x128xf32, #tpu.memory_space<hbm>>) target_semaphore(%dma_start3A_302 : memref<!tpu.dma_semaphore, #tpu.memory_space<semaphore_mem>>)
    %dma_wait3A_308 = arith.constant 0 : i32
    %dma_wait3A_309 = arith.constant 0 : i32
    %dma_wait3A_310 = arith.constant 0 : i32
    %dma_wait3A_311 = tpu.memref_slice %arg6[%dma_wait3A_309, %dma_wait3A_310] : memref<200x128xf32, #tpu.memory_space<vmem>> -> memref<40x128xf32, #tpu.memory_space<vmem>>
    %dma_wait3A_312 = arith.constant 0 : i32
    %dma_wait3A_313 = arith.constant 0 : i32
    %dma_wait3A_314 = tpu.memref_slice %arg4[%dma_wait3A_312, %dma_wait3A_313] : memref<320000x128xf32, #tpu.memory_space<hbm>> -> memref<40x128xf32, #tpu.memory_space<hbm>>
    %dma_wait3A_315 = tpu.memref_slice %arg10[%dma_wait3A_308] : memref<5x!tpu.dma_semaphore, #tpu.memory_space<semaphore_mem>> -> memref<1x!tpu.dma_semaphore, #tpu.memory_space<semaphore_mem>>
    %dma_wait3A_316 = tpu.memref_squeeze %dma_wait3A_315 : memref<1x!tpu.dma_semaphore, #tpu.memory_space<semaphore_mem>> -> memref<!tpu.dma_semaphore, #tpu.memory_space<semaphore_mem>>
    %dma_wait3A_317 = arith.constant 0 : i32
    %dma_wait3A_318 = arith.constant 0 : i32
    %dma_wait3A_319 = tpu.memref_slice %arg4[%dma_wait3A_317, %dma_wait3A_318] : memref<320000x128xf32, #tpu.memory_space<hbm>> -> memref<40x128xf32, #tpu.memory_space<hbm>>
    %dma_wait3A_320 = arith.constant 0 : i32
    %dma_wait3A_321 = arith.constant 0 : i32
    %dma_wait3A_322 = tpu.memref_slice %arg6[%dma_wait3A_320, %dma_wait3A_321] : memref<200x128xf32, #tpu.memory_space<vmem>> -> memref<40x128xf32, #tpu.memory_space<vmem>>
    tpu.wait_dma2 semaphore(%dma_wait3A_316 : memref<!tpu.dma_semaphore, #tpu.memory_space<semaphore_mem>>) src(%dma_wait3A_322 : memref<40x128xf32, #tpu.memory_space<vmem>>) dst(%dma_wait3A_319 : memref<40x128xf32, #tpu.memory_space<hbm>>)
    %dma_wait3A_323 = arith.constant 1 : i32
    %dma_wait3A_324 = arith.constant 40 : i32
    %dma_wait3A_325 = arith.constant 0 : i32
    %dma_wait3A_326 = tpu.memref_slice %arg6[%dma_wait3A_324, %dma_wait3A_325] : memref<200x128xf32, #tpu.memory_space<vmem>> -> memref<40x128xf32, #tpu.memory_space<vmem>>
    %dma_wait3A_327 = arith.constant 0 : i32
    %dma_wait3A_328 = arith.constant 0 : i32
    %dma_wait3A_329 = tpu.memref_slice %arg4[%dma_wait3A_327, %dma_wait3A_328] : memref<320000x128xf32, #tpu.memory_space<hbm>> -> memref<40x128xf32, #tpu.memory_space<hbm>>
    %dma_wait3A_330 = tpu.memref_slice %arg10[%dma_wait3A_323] : memref<5x!tpu.dma_semaphore, #tpu.memory_space<semaphore_mem>> -> memref<1x!tpu.dma_semaphore, #tpu.memory_space<semaphore_mem>>
    %dma_wait3A_331 = tpu.memref_squeeze %dma_wait3A_330 : memref<1x!tpu.dma_semaphore, #tpu.memory_space<semaphore_mem>> -> memref<!tpu.dma_semaphore, #tpu.memory_space<semaphore_mem>>
    %dma_wait3A_332 = arith.constant 0 : i32
    %dma_wait3A_333 = arith.constant 0 : i32
    %dma_wait3A_334 = tpu.memref_slice %arg4[%dma_wait3A_332, %dma_wait3A_333] : memref<320000x128xf32, #tpu.memory_space<hbm>> -> memref<40x128xf32, #tpu.memory_space<hbm>>
    %dma_wait3A_335 = arith.constant 40 : i32
    %dma_wait3A_336 = arith.constant 0 : i32
    %dma_wait3A_337 = tpu.memref_slice %arg6[%dma_wait3A_335, %dma_wait3A_336] : memref<200x128xf32, #tpu.memory_space<vmem>> -> memref<40x128xf32, #tpu.memory_space<vmem>>
    tpu.wait_dma2 semaphore(%dma_wait3A_331 : memref<!tpu.dma_semaphore, #tpu.memory_space<semaphore_mem>>) src(%dma_wait3A_337 : memref<40x128xf32, #tpu.memory_space<vmem>>) dst(%dma_wait3A_334 : memref<40x128xf32, #tpu.memory_space<hbm>>)
    %dma_wait3A_338 = arith.constant 2 : i32
    %dma_wait3A_339 = arith.constant 80 : i32
    %dma_wait3A_340 = arith.constant 0 : i32
    %dma_wait3A_341 = tpu.memref_slice %arg6[%dma_wait3A_339, %dma_wait3A_340] : memref<200x128xf32, #tpu.memory_space<vmem>> -> memref<40x128xf32, #tpu.memory_space<vmem>>
    %dma_wait3A_342 = arith.constant 0 : i32
    %dma_wait3A_343 = arith.constant 0 : i32
    %dma_wait3A_344 = tpu.memref_slice %arg4[%dma_wait3A_342, %dma_wait3A_343] : memref<320000x128xf32, #tpu.memory_space<hbm>> -> memref<40x128xf32, #tpu.memory_space<hbm>>
    %dma_wait3A_345 = tpu.memref_slice %arg10[%dma_wait3A_338] : memref<5x!tpu.dma_semaphore, #tpu.memory_space<semaphore_mem>> -> memref<1x!tpu.dma_semaphore, #tpu.memory_space<semaphore_mem>>
    %dma_wait3A_346 = tpu.memref_squeeze %dma_wait3A_345 : memref<1x!tpu.dma_semaphore, #tpu.memory_space<semaphore_mem>> -> memref<!tpu.dma_semaphore, #tpu.memory_space<semaphore_mem>>
    %dma_wait3A_347 = arith.constant 0 : i32
    %dma_wait3A_348 = arith.constant 0 : i32
    %dma_wait3A_349 = tpu.memref_slice %arg4[%dma_wait3A_347, %dma_wait3A_348] : memref<320000x128xf32, #tpu.memory_space<hbm>> -> memref<40x128xf32, #tpu.memory_space<hbm>>
    %dma_wait3A_350 = arith.constant 80 : i32
    %dma_wait3A_351 = arith.constant 0 : i32
    %dma_wait3A_352 = tpu.memref_slice %arg6[%dma_wait3A_350, %dma_wait3A_351] : memref<200x128xf32, #tpu.memory_space<vmem>> -> memref<40x128xf32, #tpu.memory_space<vmem>>
    tpu.wait_dma2 semaphore(%dma_wait3A_346 : memref<!tpu.dma_semaphore, #tpu.memory_space<semaphore_mem>>) src(%dma_wait3A_352 : memref<40x128xf32, #tpu.memory_space<vmem>>) dst(%dma_wait3A_349 : memref<40x128xf32, #tpu.memory_space<hbm>>)
    %dma_wait3A_353 = arith.constant 3 : i32
    %dma_wait3A_354 = arith.constant 120 : i32
    %dma_wait3A_355 = arith.constant 0 : i32
    %dma_wait3A_356 = tpu.memref_slice %arg6[%dma_wait3A_354, %dma_wait3A_355] : memref<200x128xf32, #tpu.memory_space<vmem>> -> memref<40x128xf32, #tpu.memory_space<vmem>>
    %dma_wait3A_357 = arith.constant 0 : i32
    %dma_wait3A_358 = arith.constant 0 : i32
    %dma_wait3A_359 = tpu.memref_slice %arg4[%dma_wait3A_357, %dma_wait3A_358] : memref<320000x128xf32, #tpu.memory_space<hbm>> -> memref<40x128xf32, #tpu.memory_space<hbm>>
    %dma_wait3A_360 = tpu.memref_slice %arg10[%dma_wait3A_353] : memref<5x!tpu.dma_semaphore, #tpu.memory_space<semaphore_mem>> -> memref<1x!tpu.dma_semaphore, #tpu.memory_space<semaphore_mem>>
    %dma_wait3A_361 = tpu.memref_squeeze %dma_wait3A_360 : memref<1x!tpu.dma_semaphore, #tpu.memory_space<semaphore_mem>> -> memref<!tpu.dma_semaphore, #tpu.memory_space<semaphore_mem>>
    %dma_wait3A_362 = arith.constant 0 : i32
    %dma_wait3A_363 = arith.constant 0 : i32
    %dma_wait3A_364 = tpu.memref_slice %arg4[%dma_wait3A_362, %dma_wait3A_363] : memref<320000x128xf32, #tpu.memory_space<hbm>> -> memref<40x128xf32, #tpu.memory_space<hbm>>
    %dma_wait3A_365 = arith.constant 120 : i32
    %dma_wait3A_366 = arith.constant 0 : i32
    %dma_wait3A_367 = tpu.memref_slice %arg6[%dma_wait3A_365, %dma_wait3A_366] : memref<200x128xf32, #tpu.memory_space<vmem>> -> memref<40x128xf32, #tpu.memory_space<vmem>>
    tpu.wait_dma2 semaphore(%dma_wait3A_361 : memref<!tpu.dma_semaphore, #tpu.memory_space<semaphore_mem>>) src(%dma_wait3A_367 : memref<40x128xf32, #tpu.memory_space<vmem>>) dst(%dma_wait3A_364 : memref<40x128xf32, #tpu.memory_space<hbm>>)
    %dma_wait3A_368 = arith.constant 4 : i32
    %dma_wait3A_369 = arith.constant 160 : i32
    %dma_wait3A_370 = arith.constant 0 : i32
    %dma_wait3A_371 = tpu.memref_slice %arg6[%dma_wait3A_369, %dma_wait3A_370] : memref<200x128xf32, #tpu.memory_space<vmem>> -> memref<40x128xf32, #tpu.memory_space<vmem>>
    %dma_wait3A_372 = arith.constant 0 : i32
    %dma_wait3A_373 = arith.constant 0 : i32
    %dma_wait3A_374 = tpu.memref_slice %arg4[%dma_wait3A_372, %dma_wait3A_373] : memref<320000x128xf32, #tpu.memory_space<hbm>> -> memref<40x128xf32, #tpu.memory_space<hbm>>
    %dma_wait3A_375 = tpu.memref_slice %arg10[%dma_wait3A_368] : memref<5x!tpu.dma_semaphore, #tpu.memory_space<semaphore_mem>> -> memref<1x!tpu.dma_semaphore, #tpu.memory_space<semaphore_mem>>
    %dma_wait3A_376 = tpu.memref_squeeze %dma_wait3A_375 : memref<1x!tpu.dma_semaphore, #tpu.memory_space<semaphore_mem>> -> memref<!tpu.dma_semaphore, #tpu.memory_space<semaphore_mem>>
    %dma_wait3A_377 = arith.constant 0 : i32
    %dma_wait3A_378 = arith.constant 0 : i32
    %dma_wait3A_379 = tpu.memref_slice %arg4[%dma_wait3A_377, %dma_wait3A_378] : memref<320000x128xf32, #tpu.memory_space<hbm>> -> memref<40x128xf32, #tpu.memory_space<hbm>>
    %dma_wait3A_380 = arith.constant 160 : i32
    %dma_wait3A_381 = arith.constant 0 : i32
    %dma_wait3A_382 = tpu.memref_slice %arg6[%dma_wait3A_380, %dma_wait3A_381] : memref<200x128xf32, #tpu.memory_space<vmem>> -> memref<40x128xf32, #tpu.memory_space<vmem>>
    tpu.wait_dma2 semaphore(%dma_wait3A_376 : memref<!tpu.dma_semaphore, #tpu.memory_space<semaphore_mem>>) src(%dma_wait3A_382 : memref<40x128xf32, #tpu.memory_space<vmem>>) dst(%dma_wait3A_379 : memref<40x128xf32, #tpu.memory_space<hbm>>)
    return
  }
}

</mosaic_0001>

<sc_bundles>
// kernel: kernel.3.cloned.1.call-start
scs
__scs_entry_jumppad:
0x0: {  	(pc) =	sbr.rel $0x88, $3  }
0x1: {  	(tag) =	ssettag $0x0;
	lr =	simm.s32 $0x1  }
0x2: {  	[smem:$0x3F9F] =	sst lr;
	_ =	strace $0xD0000000  }
0x3: {  	_ = 	snop  }
0x4: {  	_ = 	snop  }
0x5: {  	_ = 	snop  }
0x6: {  	_ = 	snop  }
0x7: {  	_ = 	snop  }
__scs_overlays_trampoline_lowered:
0x8: {  	[smem:$0x3FAE] =	sst s0  }
0x9: {  	[smem:$0x3FAF] =	sst s1  }
0xa: {  	[smem:$0x3FB0] =	sst s2  }
0xb: {  	[smem:$0x3FB1] =	sst s3  }
0xc: {  	[smem:$0x3FB2] =	sst s4  }
0xd: {  	[smem:$0x3FB3] =	sst s5  }
0xe: {  	[smem:$0x3FB4] =	sst s6  }
0xf: {  	[smem:$0x3FB5] =	sst s7  }
0x10: {  	[smem:$0x3FB6] =	sst s8  }
0x11: {  	[smem:$0x3FB7] =	sst s9;
	s0 =	simm.s32 @!p0 $0x0  }
0x12: {  	s1 =	sld [smem:$0x3F9D];
	s0 =	simm.s32 @p0 $0x1  }
0x13: {  	[smem:$0x3FB8] =	sst s0;
	s0 =	simm.s32 @!p1 $0x0  }
0x14: {  	s2 =	sld [smem:$0x3F9C];
	s0 =	simm.s32 @p1 $0x1  }
0x15: {  	[smem:$0x3FB9] =	sst s0;
	s0 =	simm.s32 @!p2 $0x0  }
0x16: {  	s3 =	sld [smem:$0x3FDB];
	s0 =	simm.s32 @p2 $0x1  }
0x17: {  	s4 =	simm.s32 $0x1BF5;
	[smem:$0x3FBB] =	sst s0  }
0x18: {  	s0 =	sld [smem:$0x3F9E];
	_ =	swait.ge [sflag:s4], $0x0  }
0x19: {  	s7 =	sld [smem:$0x3F9F]  }
0x1a: {  	s8 =	sadd.s32 $0xFFFFE003, lr  }
0x1b: {  	s9 =	sadd.s32 $0xFFFFFEF7, lr;
	s5 =	simm.s32 $0xFFFFFFFF;
	p2 =	slt.u32 s8, $0xFFFFF086  }
0x1c: {  	p1 =	slt.u32 s9, $0xF7A;
	s5 =	simm.s32 @!p2 $0x0  }
0x1d: {  	s5 =	simm.s32 @p1 $0x1;
	p0 =	seq.s32 s7, s2  }
0x1e: {  	s7 =	smul.u32 @!p0 $0xF7A, s2;
	p2 =	seq.s32 @!p0 s5, $0x0  }
0x1f: {  	s9 =	smul.u32 $0xF7A, s1;
	s8 =	simm.s32 @!p0 $0x1BF5;
	p2 =	por !p2, p0  }
0x20: {  	[sflag:s8] =	ssyncset.s32 @!p0 $0xFFFFF086;
	s6 =	sadd.s32 @!p0 s3, s7;
	s7 =	simm.s32 @!p0 $0x108  }
0x21: {  	s3 =	sadd.s32 s3, s9;
	s6 =	sadd.s32 @!p0 $0x88, s6;
	s7 =	simm.s32 @p2 $0x1082  }
0x22: {  	[simem:s7], [sflag:s8] =	dma.local @!p0 [hbm:s6], $0xF7A  }
0x23: {  	s9 =	sor.u32 $0xD0000000, s2;
	s6 =	simm.s32 $0x108;
	_ =	swait.ge @!p0 [sflag:s8], $0x0  }
0x24: {  	s3 =	sadd.s32 $0x88, s3;
	s6 =	simm.s32 @!p1 $0x1082;
	[sflag:s4] =	ssyncset.s32 $0xFFFFF086  }
0x25: {  	[simem:s6], [sflag:s4] =	dma.local [hbm:s3], $0xF7A  }
0x26: {  	[smem:$0x3F9F] =	sst s1;
	(tag) =	ssettag s2;
	_ =	strace s9  }
0x27: {  	s1 =	sld [smem:$0x3FAF]  }
0x28: {  	s2 =	sld [smem:$0x3FB0]  }
0x29: {  	s4 =	sld [smem:$0x3FB2]  }
0x2a: {  	p0 =	seq.s32 s5, $0x0;
	s5 =	sld [smem:$0x3FB3]  }
0x2b: {  	s6 =	sld [smem:$0x3FB4]  }
0x2c: {  	s7 =	sld [smem:$0x3FB5]  }
0x2d: {  	s3 =	simm.s32 $0x108;
	s8 =	sld [smem:$0x3FB6]  }
0x2e: {  	s3 =	simm.s32 @!p0 $0x1082;
	s9 =	sld [smem:$0x3FB7]  }
0x2f: {  	lr =	sadd.s32 s0, s3;
	s0 =	sld [smem:$0x3FAE]  }
0x30: {  	s3 =	sld [smem:$0x3FB1]  }
0x31: {  	[smem:$0x3FBA] =	sst s10  }
0x32: {  	s10 =	sld [smem:$0x3FB8];
	_ =	sdelay $0x3  }
0x33: {  	p0 =	seq.s32 s10, $0x1;
	s10 =	sld [smem:$0x3FBA];
	_ =	sdelay $0x3  }
0x34: {  	[smem:$0x3FBA] =	sst s10  }
0x35: {  	s10 =	sld [smem:$0x3FB9];
	_ =	sdelay $0x3  }
0x36: {  	p1 =	seq.s32 s10, $0x1;
	s10 =	sld [smem:$0x3FBA];
	_ =	sdelay $0x3  }
0x37: {  	[smem:$0x3FBA] =	sst s10  }
0x38: {  	s10 =	sld [smem:$0x3FBB]  }
0x39: {  	_ = 	snop;
	(pc) =	sbr.ind lr, $3  }
0x3a: {  	_ = 	snop  }
0x3b: {  	_ = 	snop  }
0x3c: {  	p2 =	seq.s32 s10, $0x1;
	s10 =	sld [smem:$0x3FBA]  }
0x3d: {  	_ =	shalt  }
0x3e: {  	_ =	shalt  }
0x3f: {  	_ =	shalt  }
0x40: {  	_ =	shalt  }
0x41: {  	_ =	shalt  }
0x42: {  	_ =	shalt  }
0x43: {  	_ =	shalt  }
0x44: {  	_ =	shalt  }
0x45: {  	_ =	shalt  }
0x46: {  	_ =	shalt  }
0x47: {  	_ =	shalt  }
0x48: {  	_ =	shalt  }
0x49: {  	_ =	shalt  }
0x4a: {  	_ =	shalt  }
0x4b: {  	_ =	shalt  }
0x4c: {  	_ =	shalt  }
0x4d: {  	_ =	shalt  }
0x4e: {  	_ =	shalt  }
0x4f: {  	_ =	shalt  }
0x50: {  	_ =	shalt  }
0x51: {  	_ =	shalt  }
0x52: {  	_ =	shalt  }
0x53: {  	_ =	shalt  }
0x54: {  	_ =	shalt  }
0x55: {  	_ =	shalt  }
0x56: {  	_ =	shalt  }
0x57: {  	_ =	shalt  }
0x58: {  	_ =	shalt  }
0x59: {  	_ =	shalt  }
0x5a: {  	_ =	shalt  }
0x5b: {  	_ =	shalt  }
0x5c: {  	_ =	shalt  }
0x5d: {  	_ =	shalt  }
0x5e: {  	_ =	shalt  }
0x5f: {  	_ =	shalt  }
0x60: {  	_ =	shalt  }
0x61: {  	_ =	shalt  }
0x62: {  	_ =	shalt  }
0x63: {  	_ =	shalt  }
0x64: {  	_ =	shalt  }
0x65: {  	_ =	shalt  }
0x66: {  	_ =	shalt  }
0x67: {  	_ =	shalt  }
0x68: {  	_ =	shalt  }
0x69: {  	_ =	shalt  }
0x6a: {  	_ =	shalt  }
0x6b: {  	_ =	shalt  }
0x6c: {  	_ =	shalt  }
0x6d: {  	_ =	shalt  }
0x6e: {  	_ =	shalt  }
0x6f: {  	_ =	shalt  }
0x70: {  	_ =	shalt  }
0x71: {  	_ =	shalt  }
0x72: {  	_ =	shalt  }
0x73: {  	_ =	shalt  }
0x74: {  	_ =	shalt  }
0x75: {  	_ =	shalt  }
0x76: {  	_ =	shalt  }
0x77: {  	_ =	shalt  }
0x78: {  	_ =	shalt  }
0x79: {  	_ =	shalt  }
0x7a: {  	_ =	shalt  }
0x7b: {  	_ =	shalt  }
0x7c: {  	_ =	shalt  }
0x7d: {  	_ =	shalt  }
0x7e: {  	_ =	shalt  }
0x7f: {  	_ =	shalt  }
0x80: {  	_ =	shalt  }
0x81: {  	_ =	shalt  }
0x82: {  	_ =	shalt  }
0x83: {  	_ =	shalt  }
0x84: {  	_ =	shalt  }
0x85: {  	_ =	shalt  }
0x86: {  	_ =	shalt  }
0x87: {  	_ =	shalt  }
.Lfunc_end0:
.L_simem_size_0:
called_computation_lowered:
.L_overlay_start_0:
0x88: {  	s2 =	sld [smem:$0x3FD9]  }
0x89: {  	s3 =	sld [smem:$0x3FFE];
	_ =	sdelay $0x1  }
0x8a: {  	s1 =	srdreg.scid  }
0x8b: {  	s0 =	sand.u32 $0x1, s1  }
0x8c: {  	s18 =	sshll.u32 s0, $0xA;
	s2 =	sadd.s32 s3, s2  }
0x8d: {  	s2 =	sadd.s32 s2, s18  }
0x8e: {  	[smem:$0x3FC6] =	sst s2  }
0x8f: {  	_ = 	snop  }
0x90: {  	s2 =	sld [smem:$0x3FC9]  }
0x91: {  	s19 =	sld [smem:$0x3FC8]  }
0x92: {  	s4 =	sld [smem:$0x3FD0];
	(tm) =	ssettm $0x1  }
0x93: {  	s5 =	sld [smem:$0x3FFB];
	_ =	sdelay $0x3  }
0x94: {  	_ =	strace s5  }
0x95: {  	s5 =	sld [smem:$0x3FFC];
	_ =	sdelay $0x3  }
0x96: {  	_ =	strace s5  }
0x97: {  	s5 =	sld [smem:$0x3FFD];
	_ =	sdelay $0x3  }
0x98: {  	_ =	strace s5  }
0x99: {  	_ =	strace $0x8FFFFFFF  }
0x9a: {  	s20 =	sld [smem:$0x3FDB];
	_ =	sdelay $0x1  }
0x9b: {  	s6 =	simm.s32 $_scs_section_size  }
0x9c: {  	s7 =	simm.s32 $_size__tile_overlayer_lowered;
	s8 =	simm.s32 $_tile_overlayer_lowered  }
0x9d: {  	s23 =	simm.s32 $0x1BFF;
	s22 =	sshll.u32 s8, $0x1;
	s5 =	sadd.s32 s6, s20  }
0x9e: {  	s9 =	simm.s32 $0x0;
	s21 =	sshll.u32 s7, $0x1;
	s7 =	sadd.s32 s22, s5  }
0x9f: {  	[timem:s9], [sflag:s23] =	dma.local [hbm:s7], s21  }
0xa0: {  	_ =	swait.ge [sflag:s23], s21  }
0xa1: {  	s6 =	ssub.s32 $0x0, s21;
	[sflag:s23] =	ssyncset.done $0x0  }
0xa2: {  	[sflag:s23] =	ssyncadd.s32 s6;
	_ =	sdelay $0x1  }
0xa3: {  	s24 =	simm.s32 $0x1B8B  }
0xa4: {  	_ =	swait.ge [sflag:s24], $0x1  }
0xa5: {  	[sflag:s24] =	ssyncset.done $0x0  }
0xa6: {  	s25 =	simm.s32 $0x1B8E;
	[sflag:s24] =	ssyncadd.s32 $0xFFFFFFFF  }
0xa7: {  	s26 =	simm.s32 $execute0_lowered;
	[smem:$0x3FD2] =	sst s25  }
0xa8: {  	s6 =	sshll.u32 s26, $0x1;
	_ =	strace $0x80000046;
	[dreg:$0x1] =	wrdreg $0xFFFFFFFF  }
0xa9: {  	s28 =	simm.s32 $_size_execute0_lowered;
	s5 =	sadd.s32 s5, s6;
	[dreg:$0x0] =	wrdreg $0x0  }
0xaa: {  	s6 =	sshll.u32 s28, $0x1;
	[dreg:$0x2] =	wrdreg s5  }
0xab: {  	[dreg:$0x3] =	wrdreg s6  }
0xac: {  	[dreg:$0x4] =	wrdreg $0xC0  }
0xad: {  	_ =	task [dreg:s9], $0x5FFFF  }
0xae: {  	[dreg:$0x1] =	wrdreg $0xFFFFFFFF  }
0xaf: {  	[dreg:$0x0] =	wrdreg $0x60  }
0xb0: {  	[dreg:$0x2] =	wrdreg s2  }
0xb1: {  	[dreg:$0x3] =	wrdreg s19  }
0xb2: {  	[dreg:$0x4] =	wrdreg s4  }
0xb3: {  	[dreg:$0x5] =	wrdreg $0x8B800  }
0xb4: {  	[dreg:$0x6] =	wrdreg $0x9  }
0xb5: {  	_ =	task.clear_ibuf [dreg:s9], $0x7FFFF;
	_ =	strace $0x90000046  }
0xb6: {  	s29 =	simm.s32 $0x9;
	_ =	strace $0x80000048  }
0xb7: {  	_ =	swait.ge [sflag:s29], $0x1  }
0xb8: {  	[sflag:s29] =	ssyncadd.s32 $0xFFFFFFFF  }
0xb9: {  	_ =	strace $0x90000048  }
0xba: {  	_ =	sfence  }
0xbb: {  	s30 =	sld [smem:$0x0];
	_ =	sdelay $0x2  }
0xbc: {  	s31 =	sshll.u32 s1, $0xD;
	s1 =	sshrl.u32 s1, $0x2  }
0xbd: {  	s3 =	sand.u32 $0x4000, s31;
	s1 =	sadd.s32 s1, s30  }
0xbe: {  	s0 =	sor.u32 s3, s0;
	s1 =	sshll.u32 s1, $0x11  }
0xbf: {  	s0 =	sor.u32 s1, s0  }
0xc0: {  	s0 =	sadd.s32 $0x8F2B, s0  }
0xc1: {  	[sflag:s0] =	ssyncadd.remote.s32 $0x1  }
0xc2: {  	_ =	sfence.sel $0xFFFF  }
0xc3: {  	[dreg:$0x0] =	wrdreg $0xFFFFFFFF;
	(pc) =	sbr.abs _section_cstart, $3  }
0xc4: {  	[dreg:$0x1] =	wrdreg $0xFFFFFFFF  }
0xc5: {  	_ =	task.clear_ibuf [dreg:s9], $0x2FFFF;
	_ =	strace $0x9FFFFFFF  }
0xc6: {  	(tm) =	ssettm $0x7FFFFFFF  }
0xc7: {  	_ =	shalt  }
tec
execute0_lowered:
.L_overlay_start_1:
0x0: {  	(tag) =	ssettag $0x1  }
0x1: {  	s0 =	rddreg [dreg:$0x0]  }
0x2: {  	s1 =	rddreg [dreg:$0x1];
	s2 =	srdreg.scid  }
0x3: {  	s4 =	stileid.u32;
	s5 =	rddreg [dreg:$0x2]  }
0x4: {  	s28 =	simm.s32 $0xB;
	s29 =	simm.s32 $0x28;
	s10 =	smul.u32 $0x4E000, s4  }
0x5: {  	s30 =	simm.s32 $0x2780;
	s31 =	simm.s32 $0x3B80;
	s12 =	smul.u32 $0x270, s4  }
0x6: {  	s7 =	sand.u32 $0x1, s2;
	s3 =	sshll.u32 s4, $0x1;
	s13 =	smul.u32 $0x2700, s4  }
0x7: {  	s2 =	rddreg [dreg:$0x3];
	s19 =	sshll.u32 s4, $0x6;
	s17 =	smul.u32 $0x4E200, s4  }
0x8: {  	p0 =	sne.s32 s4, $0x0;
	s4 =	simm.s32 $0x6380;
	s8 =	sor.u32 s7, s3  }
0x9: {  	s3 =	simm.s32 $0x0;
	s9 =	ssub.s32 $0x2, s7;
	s7 =	smul.u32 $0x27100, s7  }
0xa: {  	s6 =	smul.u32 $0x2710, s8;
	[smem:$0x7FF] =	sst s3;
	s11 =	sshrl.u32 s9, $0x1  }
0xb: {  	s10 =	sshrl.u32 s10, $0x2;
	s18 =	sadd.s32 s0, s13;
	s20 =	sadd.s32 $0x68, s12  }
0xc: {  	s22 =	sadd.s32 $0xD0, s12;
	s23 =	sadd.s32 $0x138, s12;
	s25 =	smul.u32 $0x27100, s8  }
0xd: {  	s24 =	sadd.s32 $0x1A0, s12;
	s12 =	sadd.s32 $0x208, s12;
	s8 =	smul.u32 $0x138800, s8  }
0xe: {  	s17 =	sadd.s32 s17, s5;
	_ =	strace $0x80000047;
	s9 =	ssub.s32 s9, s11  }
0xf: {  	[dreg:$0x6] =	wrdreg s18;
	s21 =	sshll.u32 s20, $0x7;
	s14 =	sshll.u32 s22, $0x7  }
0x10: {  	s13 =	sshll.u32 s22, $0x4;
	s15 =	sshll.u32 s23, $0x7;
	s16 =	sshll.u32 s24, $0x7  }
0x11: {  	s26 =	sshll.u32 s12, $0x7;
	s12 =	sshll.u32 s12, $0x4;
	s18 =	sadd.s32 s7, s17  }
0x12: {  	s7 =	simm.s32 $0x7780;
	s17 =	simm.s32 $0xA;
	s6 =	sshrl.u32 s6, $0x3  }
0x13: {  	s11 =	sadd.s32 s21, s2;
	s13 =	sadd.s32 s0, s13;
	s15 =	sadd.s32 s15, s2  }
0x14: {  	s12 =	sadd.s32 s0, s12;
	s8 =	sshrl.u32 s8, $0x3;
	s22 =	smax.u32 s9, $0x1  }
0x15: {  	s18 =	sadd.s32 $0x780, s18;
	s9 =	simm.s32 $0xC;
	s1 =	sadd.s32 s1, s6  }
0x16: {  	s6 =	sor.u32 $0x1C0C, s19;
	[dreg:$0x8] =	wrdreg s13;
	s13 =	sshll.u32 s23, $0x4  }
0x17: {  	[dreg:$0xb] =	wrdreg s12;
	s12 =	sadd.s32 $0x138000, s2;
	s8 =	sadd.s32 s5, s8  }
0x18: {  	s5 =	sadd.s32 s5, s25;
	[dreg:$0x11] =	wrdreg s22;
	s23 =	sshrl.u32 s11, $0x3  }
0x19: {  	s25 =	sshrl.u32 s15, $0x3;
	s11 =	simm.s32 $0x3;
	[dreg:$0x5] =	wrdreg s1  }
0x1a: {  	s15 =	simm.s32 $0x5;
	s1 =	sadd.s32 s10, s2;
	[dreg:$0xc] =	wrdreg s5  }
0x1b: {  	s10 =	sshll.u32 s20, $0x4;
	s13 =	sadd.s32 s0, s13;
	[dreg:$0x13] =	wrdreg s23  }
0x1c: {  	s19 =	sadd.s32 $0x26980, s8;
	s20 =	sadd.s32 $0x26C00, s8;
	[dreg:$0x15] =	wrdreg s25  }
0x1d: {  	s21 =	sadd.s32 $0x26E80, s8;
	s25 =	sshrl.u32 @!p0 s12, $0x3;
	[dreg:$0x9] =	wrdreg s13  }
0x1e: {  	s5 =	simm.s32 $0x1;
	s12 =	simm.s32 $0x7;
	[dreg:$0xe] =	wrdreg s19  }
0x1f: {  	s10 =	sadd.s32 s0, s10;
	s13 =	sadd.s32 s16, s2;
	[dreg:$0xf] =	wrdreg s20  }
0x20: {  	s16 =	sadd.s32 $0x280, s8;
	[dreg:$0x10] =	wrdreg s21;
	s1 =	sshrl.u32 s1, $0x3  }
0x21: {  	s8 =	simm.s32 $0x2;
	s19 =	simm.s32 $0x0;
	[dreg:$0x7] =	wrdreg s10  }
0x22: {  	s10 =	sadd.s32 s14, s2;
	s14 =	sshll.u32 s24, $0x4;
	[dreg:$0xd] =	wrdreg s16  }
0x23: {  	[dreg:$0x12] =	wrdreg s1;
	s1 =	simm.s32 $0x4F80;
	s14 =	sadd.s32 s0, s14  }
0x24: {  	s16 =	simm.s32 $0x9;
	s24 =	sshrl.u32 s10, $0x3;
	[dreg:$0xa] =	wrdreg s14  }
0x25: {  	s14 =	sadd.s32 s26, s2;
	[dreg:$0x14] =	wrdreg s24;
	s26 =	sshrl.u32 s13, $0x3  }
0x26: {  	s10 =	simm.s32 $0x6;
	s13 =	simm.s32 $0x4;
	[dreg:$0x16] =	wrdreg s26  }
0x27: {  	s24 =	sshrl.u32 s14, $0x3;
	s26 =	sadd.s32 $0x27000, s0;
	s14 =	simm.s32 $0x8  }
.LBB2_1:
0x28: {  	s20 =	rddreg [dreg:$0x5]  }
0x29: {  	s22 =	rddreg [dreg:$0x6]  }
0x2a: {  	s21 =	rddreg [dreg:$0x12]  }
0x2b: {  	[tilespmem:s3], [sflag:$0xB] =	stream.linear.gather [hbm4b:s20+s3], $0x2710, $0x38;
	[tilespmem:$0x1C400] =	vst v63  }
0x2c: {  	[spmem:s21], [sflag:s6] =	dma.local [hbm:s22], $0x680  }
0x2d: {  	s20 =	rddreg [dreg:$0x7]  }
0x2e: {  	s21 =	rddreg [dreg:$0x13]  }
0x2f: {  	[spmem:s21], [sflag:s6] =	dma.local [hbm:s20], $0x680  }
0x30: {  	s20 =	rddreg [dreg:$0x8]  }
0x31: {  	s21 =	rddreg [dreg:$0x14]  }
0x32: {  	[spmem:s21], [sflag:s6] =	dma.local [hbm:s20], $0x680  }
0x33: {  	s20 =	rddreg [dreg:$0x9]  }
0x34: {  	s21 =	rddreg [dreg:$0x15]  }
0x35: {  	[spmem:s21], [sflag:s6] =	dma.local [hbm:s20], $0x680  }
0x36: {  	s20 =	rddreg [dreg:$0xa]  }
0x37: {  	s21 =	rddreg [dreg:$0x16]  }
0x38: {  	[spmem:s21], [sflag:s6] =	dma.local [hbm:s20], $0x680  }
0x39: {  	s20 =	rddreg [dreg:$0xb]  }
0x3a: {  	[spmem:s24], [sflag:s6] =	dma.local [hbm:s20], $0x680  }
0x3b: {  	[spmem:s25], [sflag:s6] =	dma.local @!p0 [hbm:s26], $0x100  }
0x3c: {  	_ =	swait.ge [sflag:s28], $0x2710  }
0x3d: {  	[sflag:s28] =	ssyncset.done $0x0  }
0x3e: {  	[sflag:s28] =	ssyncadd.s32 $0xFFFFD8F0  }
0x3f: {  	[tilespmem:s30], [sflag:$0x1] =	stream.indirect.gather [hbm4b:s0+s29], $0x80, s3, s29, $0xb8;
	[tilespmem:$0x1C400] =	vst v63  }
0x40: {  	_ = 	snop  }
0x41: {  	[tilespmem:s31], [sflag:$0x2] =	stream.indirect.gather [hbm4b:s0+s29], $0x80, s29, s29, $0xb8;
	[tilespmem:$0x1C400] =	vst v63  }
0x42: {  	s23 =	simm.s32 $0x50  }
0x43: {  	[tilespmem:s1], [sflag:$0x3] =	stream.indirect.gather [hbm4b:s0+s29], $0x80, s23, s29, $0xb8;
	[tilespmem:$0x1C400] =	vst v63  }
0x44: {  	s21 =	simm.s32 $0x78  }
0x45: {  	[tilespmem:s4], [sflag:$0x4] =	stream.indirect.gather [hbm4b:s0+s29], $0x80, s21, s29, $0xb8;
	[tilespmem:$0x1C400] =	vst v63  }
0x46: {  	_ =	swait.ge [sflag:s5], $0x1400  }
0x47: {  	[sflag:s5] =	ssyncset.done $0x0  }
0x48: {  	s22 =	rddreg [dreg:$0xc];
	[sflag:s5] =	ssyncadd.s32 $0xFFFFEC00  }
0x49: {  	[hbm4b:s22+s3] =	stream.linear.scatter [tilespmem:s30], [sflag:$0x6], $0x1400, $0x38;
	[tilespmem:$0x1C400] =	vst v63  }
0x4a: {  	s23 =	simm.s32 $0xA0  }
0x4b: {  	[tilespmem:s7], [sflag:$0x5] =	stream.indirect.gather [hbm4b:s0+s29], $0x80, s23, s29, $0xb8;
	[tilespmem:$0x1C400] =	vst v63  }
0x4c: {  	_ =	swait.ge [sflag:s8], $0x1400  }
0x4d: {  	[sflag:s8] =	ssyncset.done $0x0  }
0x4e: {  	s21 =	rddreg [dreg:$0xd];
	[sflag:s8] =	ssyncadd.s32 $0xFFFFEC00  }
0x4f: {  	[hbm4b:s21+s3] =	stream.linear.scatter [tilespmem:s31], [sflag:$0x7], $0x1400, $0x38;
	[tilespmem:$0x1C400] =	vst v63  }
0x50: {  	_ =	swait.ge [sflag:s9], $0x680  }
0x51: {  	[sflag:s9] =	ssyncset.done $0x0  }
0x52: {  	[sflag:s9] =	ssyncadd.s32 $0xFFFFF980  }
0x53: {  	_ =	swait.ge [sflag:s9], $0x680  }
0x54: {  	[sflag:s9] =	ssyncset.done $0x0  }
0x55: {  	[sflag:s9] =	ssyncadd.s32 $0xFFFFF980  }
0x56: {  	_ =	swait.ge [sflag:s9], $0x680  }
0x57: {  	[sflag:s9] =	ssyncset.done $0x0  }
0x58: {  	[sflag:s9] =	ssyncadd.s32 $0xFFFFF980  }
0x59: {  	_ =	swait.ge [sflag:s9], $0x680  }
0x5a: {  	[sflag:s9] =	ssyncset.done $0x0  }
0x5b: {  	[sflag:s9] =	ssyncadd.s32 $0xFFFFF980  }
0x5c: {  	_ =	swait.ge [sflag:s9], $0x680  }
0x5d: {  	[sflag:s9] =	ssyncset.done $0x0  }
0x5e: {  	[sflag:s9] =	ssyncadd.s32 $0xFFFFF980  }
0x5f: {  	_ =	swait.ge [sflag:s9], $0x680  }
0x60: {  	[sflag:s9] =	ssyncset.done $0x0  }
0x61: {  	s20 =	simm.s32 @!p0 $0xC;
	[sflag:s9] =	ssyncadd.s32 $0xFFFFF980  }
0x62: {  	_ =	swait.ge @!p0 [sflag:s20], $0x100  }
0x63: {  	[sflag:s20] =	ssyncset.done @!p0 $0x0  }
0x64: {  	[sflag:s20] =	ssyncadd.s32 @!p0 $0xFFFFFF00  }
0x65: {  	[bflag:$0x0] =	sbarrier.arrive $0xFFFF  }
0x66: {  	_ =	swait.ge [sflag:s10], $0x1400  }
0x67: {  	[sflag:s10] =	ssyncset.done $0x0  }
0x68: {  	s22 =	simm.s32 $0xC8;
	[sflag:s10] =	ssyncadd.s32 $0xFFFFEC00  }
0x69: {  	[tilespmem:s30], [sflag:$0x1] =	stream.indirect.gather [spmem:s2], $0x80, s22, s29, $0xb8;
	[tilespmem:$0x1C400] =	vst v63  }
0x6a: {  	_ =	swait.ge [sflag:s11], $0x1400  }
0x6b: {  	[sflag:s11] =	ssyncset.done $0x0  }
0x6c: {  	s23 =	sadd.s32 $0xFFFFFD80, s18;
	[sflag:s11] =	ssyncadd.s32 $0xFFFFEC00  }
0x6d: {  	[hbm4b:s23+s3] =	stream.linear.scatter [tilespmem:s1], [sflag:$0x8], $0x1400, $0x38;
	[tilespmem:$0x1C400] =	vst v63  }
0x6e: {  	_ =	swait.ge [sflag:s12], $0x1400  }
0x6f: {  	[sflag:s12] =	ssyncset.done $0x0  }
0x70: {  	s21 =	simm.s32 $0xF0;
	[sflag:s12] =	ssyncadd.s32 $0xFFFFEC00  }
0x71: {  	[tilespmem:s31], [sflag:$0x2] =	stream.indirect.gather [spmem:s2], $0x80, s21, s29, $0xb8;
	[tilespmem:$0x1C400] =	vst v63  }
0x72: {  	_ =	swait.ge [sflag:s13], $0x1400  }
0x73: {  	[sflag:s13] =	ssyncset.done $0x0  }
0x74: {  	[sflag:s13] =	ssyncadd.s32 $0xFFFFEC00  }
0x75: {  	[hbm4b:s18+s3] =	stream.linear.scatter [tilespmem:s4], [sflag:$0x9], $0x1400, $0x38;
	[tilespmem:$0x1C400] =	vst v63  }
0x76: {  	_ =	swait.ge [sflag:s14], $0x1400  }
0x77: {  	[sflag:s14] =	ssyncset.done $0x0  }
0x78: {  	s22 =	simm.s32 $0x118;
	[sflag:s14] =	ssyncadd.s32 $0xFFFFEC00  }
0x79: {  	[tilespmem:s1], [sflag:$0x3] =	stream.indirect.gather [spmem:s2], $0x80, s22, s29, $0xb8;
	[tilespmem:$0x1C400] =	vst v63  }
0x7a: {  	_ =	swait.ge [sflag:s15], $0x1400  }
0x7b: {  	[sflag:s15] =	ssyncset.done $0x0  }
0x7c: {  	s23 =	sadd.s32 $0x280, s18;
	[sflag:s15] =	ssyncadd.s32 $0xFFFFEC00  }
0x7d: {  	[hbm4b:s23+s3] =	stream.linear.scatter [tilespmem:s7], [sflag:$0xA], $0x1400, $0x38;
	[tilespmem:$0x1C400] =	vst v63  }
0x7e: {  	_ =	swait.ge [sflag:s16], $0x1400  }
0x7f: {  	[sflag:s16] =	ssyncset.done $0x0  }
0x80: {  	s21 =	simm.s32 $0x140;
	[sflag:s16] =	ssyncadd.s32 $0xFFFFEC00  }
0x81: {  	[tilespmem:s4], [sflag:$0x4] =	stream.indirect.gather [spmem:s2], $0x80, s21, s29, $0xb8;
	[tilespmem:$0x1C400] =	vst v63  }
0x82: {  	_ =	swait.ge [sflag:s5], $0x1400  }
0x83: {  	[sflag:s5] =	ssyncset.done $0x0  }
0x84: {  	s22 =	sadd.s32 $0x500, s18;
	[sflag:s5] =	ssyncadd.s32 $0xFFFFEC00  }
0x85: {  	[hbm4b:s22+s3] =	stream.linear.scatter [tilespmem:s30], [sflag:$0x6], $0x1400, $0x38;
	[tilespmem:$0x1C400] =	vst v63  }
0x86: {  	_ =	swait.ge [sflag:s17], $0x1400  }
0x87: {  	[sflag:s17] =	ssyncset.done $0x0  }
0x88: {  	s23 =	simm.s32 $0x168;
	[sflag:s17] =	ssyncadd.s32 $0xFFFFEC00  }
0x89: {  	[tilespmem:s7], [sflag:$0x5] =	stream.indirect.gather [spmem:s2], $0x80, s23, s29, $0xb8;
	[tilespmem:$0x1C400] =	vst v63  }
0x8a: {  	_ =	swait.ge [sflag:s8], $0x1400  }
0x8b: {  	s20 =	simm.s32 $0x320;
	[sflag:s8] =	ssyncset.done $0x0  }
0x8c: {  	s21 =	sadd.s32 $0xC80, s18;
	s22 =	sadd.s32 $0x780, s18;
	[sflag:s8] =	ssyncadd.s32 $0xFFFFEC00  }
.LBB2_2:
0x8d: {  	[hbm4b:s22+s3] =	stream.linear.scatter [tilespmem:s31], [sflag:$0x7], $0x1400, $0x38;
	[tilespmem:$0x1C400] =	vst v63  }
0x8e: {  	s22 =	smov.u32 s20  }
0x8f: {  	p1 =	sne.s32 s20, $0x9600;
	s20 =	sadd.s32 $0x320, s20;
	_ =	swait.ge [sflag:s10], $0x1400  }
0x90: {  	s22 =	sshra.s32 s22, $0x2;
	[sflag:s10] =	ssyncset.done $0x0  }
0x91: {  	s23 =	sadd.s32 $0xC8, s22;
	[sflag:s10] =	ssyncadd.s32 $0xFFFFEC00  }
0x92: {  	[tilespmem:s30], [sflag:$0x1] =	stream.indirect.gather [spmem:s2], $0x80, s23, s29, $0xb8;
	[tilespmem:$0x1C400] =	vst v63  }
0x93: {  	_ =	swait.ge [sflag:s11], $0x1400  }
0x94: {  	[sflag:s11] =	ssyncset.done $0x0  }
0x95: {  	s23 =	sadd.s32 $0xFFFFFD80, s21;
	[sflag:s11] =	ssyncadd.s32 $0xFFFFEC00  }
0x96: {  	[hbm4b:s23+s3] =	stream.linear.scatter [tilespmem:s1], [sflag:$0x8], $0x1400, $0x38;
	[tilespmem:$0x1C400] =	vst v63  }
0x97: {  	_ =	swait.ge [sflag:s12], $0x1400  }
0x98: {  	[sflag:s12] =	ssyncset.done $0x0  }
0x99: {  	s23 =	sadd.s32 $0xF0, s22;
	[sflag:s12] =	ssyncadd.s32 $0xFFFFEC00  }
0x9a: {  	[tilespmem:s31], [sflag:$0x2] =	stream.indirect.gather [spmem:s2], $0x80, s23, s29, $0xb8;
	[tilespmem:$0x1C400] =	vst v63  }
0x9b: {  	_ =	swait.ge [sflag:s13], $0x1400  }
0x9c: {  	[sflag:s13] =	ssyncset.done $0x0  }
0x9d: {  	[sflag:s13] =	ssyncadd.s32 $0xFFFFEC00  }
0x9e: {  	[hbm4b:s21+s3] =	stream.linear.scatter [tilespmem:s4], [sflag:$0x9], $0x1400, $0x38;
	[tilespmem:$0x1C400] =	vst v63  }
0x9f: {  	_ =	swait.ge [sflag:s14], $0x1400  }
0xa0: {  	[sflag:s14] =	ssyncset.done $0x0  }
0xa1: {  	s23 =	sadd.s32 $0x118, s22;
	[sflag:s14] =	ssyncadd.s32 $0xFFFFEC00  }
0xa2: {  	[tilespmem:s1], [sflag:$0x3] =	stream.indirect.gather [spmem:s2], $0x80, s23, s29, $0xb8;
	[tilespmem:$0x1C400] =	vst v63  }
0xa3: {  	_ =	swait.ge [sflag:s15], $0x1400  }
0xa4: {  	[sflag:s15] =	ssyncset.done $0x0  }
0xa5: {  	s23 =	sadd.s32 $0x280, s21;
	[sflag:s15] =	ssyncadd.s32 $0xFFFFEC00  }
0xa6: {  	[hbm4b:s23+s3] =	stream.linear.scatter [tilespmem:s7], [sflag:$0xA], $0x1400, $0x38;
	[tilespmem:$0x1C400] =	vst v63  }
0xa7: {  	_ =	swait.ge [sflag:s16], $0x1400  }
0xa8: {  	[sflag:s16] =	ssyncset.done $0x0  }
0xa9: {  	s23 =	sadd.s32 $0x140, s22;
	[sflag:s16] =	ssyncadd.s32 $0xFFFFEC00  }
0xaa: {  	[tilespmem:s4], [sflag:$0x4] =	stream.indirect.gather [spmem:s2], $0x80, s23, s29, $0xb8;
	[tilespmem:$0x1C400] =	vst v63  }
0xab: {  	_ =	swait.ge [sflag:s5], $0x1400  }
0xac: {  	[sflag:s5] =	ssyncset.done $0x0  }
0xad: {  	s23 =	sadd.s32 $0x500, s21;
	[sflag:s5] =	ssyncadd.s32 $0xFFFFEC00  }
0xae: {  	[hbm4b:s23+s3] =	stream.linear.scatter [tilespmem:s30], [sflag:$0x6], $0x1400, $0x38;
	[tilespmem:$0x1C400] =	vst v63  }
0xaf: {  	_ =	swait.ge [sflag:s17], $0x1400  }
0xb0: {  	[sflag:s17] =	ssyncset.done $0x0  }
.Ltmp0:
0xb1: {  	s22 =	sadd.s32 $0x168, s22;
	[sflag:s17] =	ssyncadd.s32 $0xFFFFEC00;
	(pc) =	sbr.rel @p1 .LBB2_2-.Ltmp0, $4  }
0xb2: {  	[tilespmem:s7], [sflag:$0x5] =	stream.indirect.gather [spmem:s2], $0x80, s22, s29, $0xb8;
	[tilespmem:$0x1C400] =	vst v63  }
0xb3: {  	_ =	swait.ge [sflag:s8], $0x1400  }
0xb4: {  	[sflag:s8] =	ssyncset.done $0x0  }
0xb5: {  	s22 =	sadd.s32 $0x780, s21;
	s21 =	sadd.s32 $0xC80, s21;
	[sflag:s8] =	ssyncadd.s32 $0xFFFFEC00  }
0xb6: {  	[hbm4b:s22+s3] =	stream.linear.scatter [tilespmem:s31], [sflag:$0x7], $0x1400, $0x38;
	[tilespmem:$0x1C400] =	vst v63  }
0xb7: {  	_ =	swait.ge [sflag:s11], $0x1400  }
0xb8: {  	[sflag:s11] =	ssyncset.done $0x0  }
0xb9: {  	s20 =	rddreg [dreg:$0xe];
	[sflag:s11] =	ssyncadd.s32 $0xFFFFEC00  }
0xba: {  	[hbm4b:s20+s3] =	stream.linear.scatter [tilespmem:s1], [sflag:$0x8], $0x1400, $0x38;
	[tilespmem:$0x1C400] =	vst v63  }
0xbb: {  	_ =	swait.ge [sflag:s13], $0x1400  }
0xbc: {  	[sflag:s13] =	ssyncset.done $0x0  }
0xbd: {  	s21 =	rddreg [dreg:$0xf];
	[sflag:s13] =	ssyncadd.s32 $0xFFFFEC00  }
0xbe: {  	[hbm4b:s21+s3] =	stream.linear.scatter [tilespmem:s4], [sflag:$0x9], $0x1400, $0x38;
	[tilespmem:$0x1C400] =	vst v63  }
0xbf: {  	_ =	swait.ge [sflag:s15], $0x1400  }
0xc0: {  	[sflag:s15] =	ssyncset.done $0x0  }
0xc1: {  	s22 =	rddreg [dreg:$0x10];
	[sflag:s15] =	ssyncadd.s32 $0xFFFFEC00  }
0xc2: {  	[hbm4b:s22+s3] =	stream.linear.scatter [tilespmem:s7], [sflag:$0xA], $0x1400, $0x38;
	[tilespmem:$0x1C400] =	vst v63  }
0xc3: {  	_ =	swait.ge [sflag:s10], $0x1400  }
0xc4: {  	[sflag:s10] =	ssyncset.done $0x0  }
0xc5: {  	[sflag:s10] =	ssyncadd.s32 $0xFFFFEC00  }
0xc6: {  	_ =	swait.ge [sflag:s12], $0x1400  }
0xc7: {  	[sflag:s12] =	ssyncset.done $0x0  }
0xc8: {  	[sflag:s12] =	ssyncadd.s32 $0xFFFFEC00  }
0xc9: {  	_ =	swait.ge [sflag:s14], $0x1400  }
0xca: {  	[sflag:s14] =	ssyncset.done $0x0  }
0xcb: {  	[sflag:s14] =	ssyncadd.s32 $0xFFFFEC00  }
0xcc: {  	_ =	swait.ge [sflag:s16], $0x1400  }
0xcd: {  	[sflag:s16] =	ssyncset.done $0x0  }
0xce: {  	[sflag:s16] =	ssyncadd.s32 $0xFFFFEC00  }
0xcf: {  	_ =	swait.ge [sflag:s17], $0x1400  }
0xd0: {  	s19 =	sadd.s32 $0x1, s19;
	s23 =	rddreg [dreg:$0x11]  }
0xd1: {  	p1 =	sne.s32 s19, s23  }
.Ltmp1:
0xd2: {  	_ = 	snop;
	(pc) =	sbr.rel @p1 .LBB2_1-.Ltmp1, $3  }
0xd3: {  	_ =	sdelay $0x1  }
0xd4: {  	[sflag:s17] =	ssyncset.done $0x0  }
0xd5: {  	[sflag:s17] =	ssyncadd.s32 $0xFFFFEC00  }
0xd6: {  	_ =	sfence.sel $0x180000  }
0xd7: {  	[bflag:$0x0] =	sbarrier.arrive $0xFFFF  }
0xd8: {  	_ =	strace $0x90000047  }
0xd9: {  	[bflag:$0x2] =	sbarrier.arrive $0xFFFF  }
0xda: {  	s0 =	rddreg [dreg:$0x4]  }
0xdb: {  	s0 =	sadd.s32 @!p0 $0x100000, s0  }
0xdc: {  	[sflag:s0] =	ssyncadd.tile.s32 @!p0 $0x1;
	_ =	shalt  }
.Lfunc_end2:
_tile_overlayer_lowered:
.L_overlay_start_2:
0xdd: {  	(tag) =	ssettag $0x2  }
0xde: {  	s0 =	rddreg [dreg:$0x0];
	s2 =	stileid.u32  }
0xdf: {  	s1 =	rddreg [dreg:$0x1];
	p0 =	sne.s32 s2, $0x0  }
0xe0: {  	s3 =	rddreg [dreg:$0x2];
	[bflag:$0x3] =	sbarrier.arrive $0xFFFF;
	s2 =	simm.s32 @!p0 $0x1C0D  }
0xe1: {  	[timem:s3], [sflag:s2] =	dma.local @!p0 [hbm:s0], s1  }
0xe2: {  	s0 =	simm.s32 @!p0 $0xD  }
0xe3: {  	_ =	swait.ge @!p0 [sflag:s0], s1  }
0xe4: {  	s1 =	ssub.s32 @!p0 $0x0, s1;
	[sflag:s0] =	ssyncset.done @!p0 $0x0  }
0xe5: {  	[sflag:s0] =	ssyncadd.s32 @!p0 s1  }
0xe6: {  	[bflag:$0x3] =	sbarrier.arrive $0xFFFF  }
0xe7: {  	_ =	shalt  }

</sc_bundles>
